<compile_context>
chip_gen: v7x
topology: tpu7x:2x2x1
jax: 0.10.2.dev20260603
libtpu: 0.0.44.dev20260713+nightly
codegen_flags: <defaults>
</compile_context>

<pallas_src>
import jax
import jax.numpy as jnp
from jax.experimental import pallas as pl

EPS = 1e-5


def _batchnorm(x, g, b):
    axes = (0,) + tuple(range(2, x.ndim))
    m = jnp.mean(x, axis=axes, keepdims=True)
    v = jnp.var(x, axis=axes, keepdims=True)
    shape = (1, -1) + (1,) * (x.ndim - 2)
    return (x - m) / jnp.sqrt(v + EPS) * g.reshape(shape) + b.reshape(shape)


def _fps(xyz, npoint):
    N = xyz.shape[1]

    def one(pts):
        def body(i, state):
            idxs, dist, last = state
            d = jnp.sum((pts - pts[last]) ** 2, axis=-1)
            dist = jnp.minimum(dist, d)
            nxt = jnp.argmax(dist).astype(jnp.int32)
            idxs = idxs.at[i].set(nxt)
            return (idxs, dist, nxt)

        idxs0 = jnp.zeros((npoint,), dtype=jnp.int32)
        state = (idxs0, jnp.full((N,), 1e10, dtype=jnp.float32), jnp.int32(0))
        idxs, _, _ = jax.lax.fori_loop(1, npoint, body, state)
        return idxs

    return jax.vmap(one)(xyz)


def _sq_dist(a, b):
    return (jnp.sum(a ** 2, -1)[:, :, None] + jnp.sum(b ** 2, -1)[:, None, :]
            - 2.0 * jnp.einsum('bsd,bnd->bsn', a, b))


def _ball_query(radius, nsample, xyz, new_xyz):
    N = xyz.shape[1]
    d = _sq_dist(new_xyz, xyz)
    mask = d <= radius ** 2
    idx = jnp.where(mask, jnp.arange(N, dtype=jnp.int32)[None, None, :], N)
    idx = jnp.sort(idx, axis=-1)[:, :, :nsample]
    first = idx[:, :, :1]
    idx = jnp.where(idx == N, first, idx)
    idx = jnp.where(idx == N, 0, idx).astype(jnp.int32)
    return idx


def _index_points(points, idx):
    return jax.vmap(lambda p, i: p[i])(points, idx)


def _shared_mlp(x, layers):
    for (W, g, b) in layers:
        x = jnp.einsum('oc,bcsk->bosk', W, x)
        x = jax.nn.relu(_batchnorm(x, g, b))
    return x


def _sa_module(xyz, features, npoint, radius, nsample, layers):
    fidx = _fps(xyz, npoint)
    new_xyz = _index_points(xyz, fidx)
    idx = _ball_query(radius, nsample, xyz, new_xyz)
    grouped_xyz = _index_points(xyz, idx) - new_xyz[:, :, None, :]
    if features is not None:
        grouped_feat = _index_points(jnp.transpose(features, (0, 2, 1)), idx)
        grouped = jnp.concatenate([grouped_xyz, grouped_feat], axis=-1)
    else:
        grouped = grouped_xyz
    x = jnp.transpose(grouped, (0, 3, 1, 2))
    x = _shared_mlp(x, layers)
    return new_xyz, jnp.max(x, axis=-1)


def _sa_group_all(xyz, features, layers):
    grouped = jnp.concatenate([jnp.transpose(xyz, (0, 2, 1)), features], axis=1)[:, :, None, :]
    x = _shared_mlp(grouped, layers)
    return jnp.max(x, axis=-1)


def _downsample(xyz, features, W, g, b):
    fidx = _fps(xyz, 256)
    feat = jax.vmap(lambda f, i: f[:, i])(features, fidx)
    x = jnp.einsum('oc,bcn->bon', W, feat)
    return jax.nn.relu(_batchnorm(x, g, b))



def _fc_head_kernel(x_ref, w1_ref, g1_ref, b1_ref, w2_ref, g2_ref, b2_ref, o_ref):
    x = x_ref[...]
    for w_ref, g_ref, b_ref in ((w1_ref, g1_ref, b1_ref), (w2_ref, g2_ref, b2_ref)):
        w = w_ref[...]
        y = jnp.dot(x, w.T, preferred_element_type=jnp.float32)
        m = jnp.mean(y, axis=0, keepdims=True)
        v = jnp.mean((y - m) ** 2, axis=0, keepdims=True)
        y = (y - m) / jnp.sqrt(v + EPS) * g_ref[...][None, :] + b_ref[...][None, :]
        x = jnp.maximum(y, 0.0)
    o_ref[...] = x


def _fc_head(x, fc_params):
    (w1, g1, b1), (w2, g2, b2) = fc_params
    B = x.shape[0]
    out_shape = jax.ShapeDtypeStruct((B, w2.shape[0]), jnp.float32)
    return pl.pallas_call(
        _fc_head_kernel,
        out_shape=out_shape,
    )(x, w1, g1, b1, w2, g2, b2)


def kernel(pointcloud, params):
    xyz = pointcloud[..., :3]
    xyz1, f1 = _sa_module(xyz, None, 1024, 0.23, 48, params['sa1'])
    xyz2, f2 = _sa_module(xyz1, f1, 512, 0.32, 64, params['sa2'])
    xyz3, f3 = _sa_module(xyz2, f2, 256, 0.32, 64, params['sa3'])
    r0 = _downsample(xyz1, f1, *params['ds0'])
    r1 = _downsample(xyz2, f2, *params['ds1'])
    feats = jnp.concatenate([r0, r1, f3], axis=1)
    g = _sa_group_all(xyz3, feats, params['sa4'])
    x = g[:, :, 0]
    return _fc_head(x, params['fc'])

# --- scband reference (transcript-rebuilt; emitter-appended) ---
"""Pipeline reference for scband-rscnn-ms-6158983102650 (READ-ONLY COPY).

The authoritative reference and input builder live on the scoring server;
editing this copy changes nothing except your own understanding.
"""

import jax, jax.numpy as jnp
import numpy as np

EPS = 1e-5

def batchnorm(x, g, b):
    axes = (0,) + tuple(range(2, x.ndim))
    m = jnp.mean(x, axis=axes, keepdims=True)
    v = jnp.var(x, axis=axes, keepdims=True)
    shape = (1, -1) + (1,) * (x.ndim - 2)
    return (x - m) / jnp.sqrt(v + EPS) * g.reshape(shape) + b.reshape(shape)

def fps(xyz, npoint):
    N = xyz.shape[1]
    def one(pts):
        def body(i, state):
            idxs, dist, last = state
            d = jnp.sum((pts - pts[last]) ** 2, axis=-1)
            dist = jnp.minimum(dist, d)
            nxt = jnp.argmax(dist).astype(jnp.int32)
            idxs = idxs.at[i].set(nxt)
            return (idxs, dist, nxt)
        idxs0 = jnp.zeros((npoint,), dtype=jnp.int32)
        state = (idxs0, jnp.full((N,), 1e10, dtype=jnp.float32), jnp.int32(0))
        idxs, _, _ = jax.lax.fori_loop(1, npoint, body, state)
        return idxs
    return jax.vmap(one)(xyz)

def sq_dist(a, b):
    return (jnp.sum(a ** 2, -1)[:, :, None] + jnp.sum(b ** 2, -1)[:, None, :]
            - 2.0 * jnp.einsum('bsd,bnd->bsn', a, b))

def ball_query(radius, nsample, xyz, new_xyz):
    N = xyz.shape[1]
    d = sq_dist(new_xyz, xyz)
    mask = d <= radius ** 2
    idx = jnp.where(mask, jnp.arange(N, dtype=jnp.int32)[None, None, :], N)
    idx = jnp.sort(idx, axis=-1)[:, :, :nsample]
    first = idx[:, :, :1]
    idx = jnp.where(idx == N, first, idx)
    idx = jnp.where(idx == N, 0, idx).astype(jnp.int32)
    return idx

def index_points(points, idx):
    return jax.vmap(lambda p, i: p[i])(points, idx)

def shared_mlp(x, layers):
    for (W, g, b) in layers:
        x = jnp.einsum('oc,bcsk->bosk', W, x)
        x = jax.nn.relu(batchnorm(x, g, b))
    return x

def sa_module(xyz, features, npoint, radius, nsample, layers):
    fidx = fps(xyz, npoint)
    new_xyz = index_points(xyz, fidx)
    idx = ball_query(radius, nsample, xyz, new_xyz)
    grouped_xyz = index_points(xyz, idx) - new_xyz[:, :, None, :]
    if features is not None:
        grouped_feat = index_points(jnp.transpose(features, (0, 2, 1)), idx)
        grouped = jnp.concatenate([grouped_xyz, grouped_feat], axis=-1)
    else:
        grouped = grouped_xyz
    x = jnp.transpose(grouped, (0, 3, 1, 2))
    x = shared_mlp(x, layers)
    return new_xyz, jnp.max(x, axis=-1)

def sa_group_all(xyz, features, layers):
    grouped = jnp.concatenate([jnp.transpose(xyz, (0, 2, 1)), features], axis=1)[:, :, None, :]
    x = shared_mlp(grouped, layers)
    return jnp.max(x, axis=-1)

def downsample(xyz, features, W, g, b):
    fidx = fps(xyz, 256)
    feat = jax.vmap(lambda f, i: f[:, i])(features, fidx)
    x = jnp.einsum('oc,bcn->bon', W, feat)
    return jax.nn.relu(batchnorm(x, g, b))

def forward(pointcloud, params):
    xyz = pointcloud[..., :3]
    xyz1, f1 = sa_module(xyz, None, 1024, 0.23, 48, params['sa1'])
    xyz2, f2 = sa_module(xyz1, f1, 512, 0.32, 64, params['sa2'])
    xyz3, f3 = sa_module(xyz2, f2, 256, 0.32, 64, params['sa3'])
    r0 = downsample(xyz1, f1, *params['ds0'])
    r1 = downsample(xyz2, f2, *params['ds1'])
    feats = jnp.concatenate([r0, r1, f3], axis=1)
    g = sa_group_all(xyz3, feats, params['sa4'])
    x = g[:, :, 0]
    for (W, ga, be) in params['fc']:
        x = jax.nn.relu(batchnorm(x @ W.T, ga, be))
    return x

def setup_inputs(seed: int = 0):
    key = jax.random.key(seed)
    ks = jax.random.split(key, 12)
    B, N = 16, 4096
    pointcloud = jax.random.uniform(ks[0], (B, N, 3), dtype=jnp.float32)
    def mk(k, o, i):
        return (jax.random.normal(k, (o, i), dtype=jnp.float32) * 0.02,
                jnp.ones((o,), jnp.float32), jnp.zeros((o,), jnp.float32))
    params = {
        'sa1': [mk(ks[1], 128, 3), mk(ks[2], 128, 128)],
        'sa2': [mk(ks[3], 256, 131), mk(ks[4], 256, 256)],
        'sa3': [mk(ks[5], 256, 259)],
        'ds0': mk(ks[6], 256, 128),
        'ds1': mk(ks[7], 256, 256),
        'sa4': [mk(ks[8], 1024, 771)],
        'fc': [mk(ks[9], 512, 1024), mk(ks[10], 512, 512)],
    }
    return {'pointcloud': pointcloud, 'params': params}

def reference(pointcloud, params):
    return forward(pointcloud, params)

if __name__ == "__main__":
    import jax
    _d = setup_inputs()
    print(jax.jit(kernel)(*tuple(_d.values())))

</pallas_src>

<mosaic_0001>
module attributes {stable_mosaic.version = 14 : i64} {
  func.func @_fc_head_kernel(%arg0: memref<16x1024xf32, #tpu.memory_space<vmem>>, %arg1: memref<512x1024xf32, #tpu.memory_space<vmem>>, %arg2: memref<512xf32, #tpu.memory_space<vmem>>, %arg3: memref<512xf32, #tpu.memory_space<vmem>>, %arg4: memref<512x512xf32, #tpu.memory_space<vmem>>, %arg5: memref<512xf32, #tpu.memory_space<vmem>>, %arg6: memref<512xf32, #tpu.memory_space<vmem>>, %arg7: memref<16x512xf32, #tpu.memory_space<vmem>>) attributes {dimension_semantics = [], scalar_prefetch = 0 : i64, scratch_operands = 0 : i64, tpu.core_type = #tpu.core_type<tc>} {
    %get3A = arith.constant 0 : index
    %get3A_0 = arith.constant 0 : index
    %get3A_1 = vector.load %arg0[%get3A, %get3A_0] : memref<16x1024xf32, #tpu.memory_space<vmem>>, vector<16x1024xf32>
    %get3A_2 = arith.constant 0 : index
    %get3A_3 = arith.constant 0 : index
    %get3A_4 = vector.load %arg1[%get3A_2, %get3A_3] : memref<512x1024xf32, #tpu.memory_space<vmem>>, vector<512x1024xf32>
    %transpose3A = tpu.transpose %get3A_4, [1, 0] : vector<512x1024xf32> -> vector<1024x512xf32>
    %dot_general3A = arith.constant dense<0.000000e+00> : vector<16x512xf32>
    %dot_general3A_5 = tpu.matmul %get3A_1, %transpose3A, %dot_general3A {dimension_numbers = #tpu.dot_dimension_numbers<[1], [0], [0], [1], [0, 0, 1, 1], [], []>, transpose_lhs_hint = false} : vector<16x1024xf32>, vector<1024x512xf32>, vector<16x512xf32> -> vector<16x512xf32>
    %reduce_sum3A = arith.constant dense<0.000000e+00> : vector<512xf32>
    %reduce_sum3A_6 = vector.multi_reduction <add>, %dot_general3A_5, %reduce_sum3A [0] : vector<16x512xf32> to vector<512xf32>
    %broadcast_in_dim3A = vector.shape_cast %reduce_sum3A_6 : vector<512xf32> to vector<1x512xf32>
    %div3A = arith.constant 1.600000e+01 : f32
    %div3A_7 = vector.broadcast %div3A : f32 to vector<1x512xf32>
    %div3A_8 = arith.divf %broadcast_in_dim3A, %div3A_7 : vector<1x512xf32>
    %sub3A = vector.broadcast %div3A_8 : vector<1x512xf32> to vector<16x512xf32>
    %sub3A_9 = arith.subf %dot_general3A_5, %sub3A : vector<16x512xf32>
    %integer_pow3A = arith.mulf %sub3A_9, %sub3A_9 : vector<16x512xf32>
    %reduce_sum3A_10 = arith.constant dense<0.000000e+00> : vector<512xf32>
    %reduce_sum3A_11 = vector.multi_reduction <add>, %integer_pow3A, %reduce_sum3A_10 [0] : vector<16x512xf32> to vector<512xf32>
    %broadcast_in_dim3A_12 = vector.shape_cast %reduce_sum3A_11 : vector<512xf32> to vector<1x512xf32>
    %div3A_13 = arith.constant 1.600000e+01 : f32
    %div3A_14 = vector.broadcast %div3A_13 : f32 to vector<1x512xf32>
    %div3A_15 = arith.divf %broadcast_in_dim3A_12, %div3A_14 : vector<1x512xf32>
    %sub3A_16 = vector.broadcast %div3A_8 : vector<1x512xf32> to vector<16x512xf32>
    %sub3A_17 = arith.subf %dot_general3A_5, %sub3A_16 : vector<16x512xf32>
    %add3A = arith.constant 9.99999974E-6 : f32
    %add3A_18 = vector.broadcast %add3A : f32 to vector<1x512xf32>
    %add3A_19 = arith.addf %div3A_15, %add3A_18 : vector<1x512xf32>
    %sqrt3A = math.sqrt %add3A_19 : vector<1x512xf32>
    %div3A_20 = vector.broadcast %sqrt3A : vector<1x512xf32> to vector<16x512xf32>
    %div3A_21 = arith.divf %sub3A_17, %div3A_20 : vector<16x512xf32>
    %get3A_22 = arith.constant 0 : index
    %get3A_23 = vector.load %arg2[%get3A_22] : memref<512xf32, #tpu.memory_space<vmem>>, vector<512xf32>
    %broadcast_in_dim3A_24 = vector.shape_cast %get3A_23 : vector<512xf32> to vector<1x512xf32>
    %mul3A = vector.broadcast %broadcast_in_dim3A_24 : vector<1x512xf32> to vector<16x512xf32>
    %mul3A_25 = arith.mulf %div3A_21, %mul3A : vector<16x512xf32>
    %get3A_26 = arith.constant 0 : index
    %get3A_27 = vector.load %arg3[%get3A_26] : memref<512xf32, #tpu.memory_space<vmem>>, vector<512xf32>
    %broadcast_in_dim3A_28 = vector.shape_cast %get3A_27 : vector<512xf32> to vector<1x512xf32>
    %add3A_29 = vector.broadcast %broadcast_in_dim3A_28 : vector<1x512xf32> to vector<16x512xf32>
    %add3A_30 = arith.addf %mul3A_25, %add3A_29 : vector<16x512xf32>
    %max3A = arith.constant 0.000000e+00 : f32
    %max3A_31 = vector.broadcast %max3A : f32 to vector<16x512xf32>
    %max3A_32 = arith.maximumf %add3A_30, %max3A_31 : vector<16x512xf32>
    %get3A_33 = arith.constant 0 : index
    %get3A_34 = arith.constant 0 : index
    %get3A_35 = vector.load %arg4[%get3A_33, %get3A_34] : memref<512x512xf32, #tpu.memory_space<vmem>>, vector<512x512xf32>
    %transpose3A_36 = tpu.transpose %get3A_35, [1, 0] : vector<512x512xf32> -> vector<512x512xf32>
    %dot_general3A_37 = arith.constant dense<0.000000e+00> : vector<16x512xf32>
    %dot_general3A_38 = tpu.matmul %max3A_32, %transpose3A_36, %dot_general3A_37 {dimension_numbers = #tpu.dot_dimension_numbers<[1], [0], [0], [1], [0, 0, 1, 1], [], []>, transpose_lhs_hint = false} : vector<16x512xf32>, vector<512x512xf32>, vector<16x512xf32> -> vector<16x512xf32>
    %reduce_sum3A_39 = arith.constant dense<0.000000e+00> : vector<512xf32>
    %reduce_sum3A_40 = vector.multi_reduction <add>, %dot_general3A_38, %reduce_sum3A_39 [0] : vector<16x512xf32> to vector<512xf32>
    %broadcast_in_dim3A_41 = vector.shape_cast %reduce_sum3A_40 : vector<512xf32> to vector<1x512xf32>
    %div3A_42 = arith.constant 1.600000e+01 : f32
    %div3A_43 = vector.broadcast %div3A_42 : f32 to vector<1x512xf32>
    %div3A_44 = arith.divf %broadcast_in_dim3A_41, %div3A_43 : vector<1x512xf32>
    %sub3A_45 = vector.broadcast %div3A_44 : vector<1x512xf32> to vector<16x512xf32>
    %sub3A_46 = arith.subf %dot_general3A_38, %sub3A_45 : vector<16x512xf32>
    %integer_pow3A_47 = arith.mulf %sub3A_46, %sub3A_46 : vector<16x512xf32>
    %reduce_sum3A_48 = arith.constant dense<0.000000e+00> : vector<512xf32>
    %reduce_sum3A_49 = vector.multi_reduction <add>, %integer_pow3A_47, %reduce_sum3A_48 [0] : vector<16x512xf32> to vector<512xf32>
    %broadcast_in_dim3A_50 = vector.shape_cast %reduce_sum3A_49 : vector<512xf32> to vector<1x512xf32>
    %div3A_51 = arith.constant 1.600000e+01 : f32
    %div3A_52 = vector.broadcast %div3A_51 : f32 to vector<1x512xf32>
    %div3A_53 = arith.divf %broadcast_in_dim3A_50, %div3A_52 : vector<1x512xf32>
    %sub3A_54 = vector.broadcast %div3A_44 : vector<1x512xf32> to vector<16x512xf32>
    %sub3A_55 = arith.subf %dot_general3A_38, %sub3A_54 : vector<16x512xf32>
    %add3A_56 = arith.constant 9.99999974E-6 : f32
    %add3A_57 = vector.broadcast %add3A_56 : f32 to vector<1x512xf32>
    %add3A_58 = arith.addf %div3A_53, %add3A_57 : vector<1x512xf32>
    %sqrt3A_59 = math.sqrt %add3A_58 : vector<1x512xf32>
    %div3A_60 = vector.broadcast %sqrt3A_59 : vector<1x512xf32> to vector<16x512xf32>
    %div3A_61 = arith.divf %sub3A_55, %div3A_60 : vector<16x512xf32>
    %get3A_62 = arith.constant 0 : index
    %get3A_63 = vector.load %arg5[%get3A_62] : memref<512xf32, #tpu.memory_space<vmem>>, vector<512xf32>
    %broadcast_in_dim3A_64 = vector.shape_cast %get3A_63 : vector<512xf32> to vector<1x512xf32>
    %mul3A_65 = vector.broadcast %broadcast_in_dim3A_64 : vector<1x512xf32> to vector<16x512xf32>
    %mul3A_66 = arith.mulf %div3A_61, %mul3A_65 : vector<16x512xf32>
    %get3A_67 = arith.constant 0 : index
    %get3A_68 = vector.load %arg6[%get3A_67] : memref<512xf32, #tpu.memory_space<vmem>>, vector<512xf32>
    %broadcast_in_dim3A_69 = vector.shape_cast %get3A_68 : vector<512xf32> to vector<1x512xf32>
    %add3A_70 = vector.broadcast %broadcast_in_dim3A_69 : vector<1x512xf32> to vector<16x512xf32>
    %add3A_71 = arith.addf %mul3A_66, %add3A_70 : vector<16x512xf32>
    %max3A_72 = arith.constant 0.000000e+00 : f32
    %max3A_73 = vector.broadcast %max3A_72 : f32 to vector<16x512xf32>
    %max3A_74 = arith.maximumf %add3A_71, %max3A_73 : vector<16x512xf32>
    %swap3A = arith.constant 0 : index
    %swap3A_75 = arith.constant 0 : index
    %swap3A_76 = vector.load %arg7[%swap3A, %swap3A_75] : memref<16x512xf32, #tpu.memory_space<vmem>>, vector<16x512xf32>
    tpu.vector_store %arg7[%swap3A, %swap3A_75], %max3A_74 {strides = array<i32>} : memref<16x512xf32, #tpu.memory_space<vmem>>, vector<16x512xf32>,
    return
  }
}

</mosaic_0001>

<sc_bundles>
// kernel: gather_offload_async_start.1
scs
__scs_entry_jumppad:
0x0: {  	(pc) =	sbr.rel $0x88, $3  }
0x1: {  	(tag) =	ssettag $0x0;
	lr =	simm.s32 $0x1  }
0x2: {  	[smem:$0x3F82] =	sst lr;
	_ =	strace $0xD0000000  }
0x3: {  	_ = 	snop  }
0x4: {  	_ = 	snop  }
0x5: {  	_ = 	snop  }
0x6: {  	_ = 	snop  }
0x7: {  	_ = 	snop  }
__scs_overlays_trampoline_lowered:
0x8: {  	[smem:$0x3F91] =	sst s0  }
0x9: {  	[smem:$0x3F92] =	sst s1  }
0xa: {  	[smem:$0x3F93] =	sst s2  }
0xb: {  	[smem:$0x3F94] =	sst s3  }
0xc: {  	[smem:$0x3F95] =	sst s4  }
0xd: {  	[smem:$0x3F96] =	sst s5  }
0xe: {  	[smem:$0x3F97] =	sst s6  }
0xf: {  	[smem:$0x3F98] =	sst s7  }
0x10: {  	[smem:$0x3F99] =	sst s8  }
0x11: {  	[smem:$0x3F9A] =	sst s9;
	s0 =	simm.s32 @!p0 $0x0  }
0x12: {  	s1 =	sld [smem:$0x3F80];
	s0 =	simm.s32 @p0 $0x1  }
0x13: {  	[smem:$0x3F9B] =	sst s0;
	s0 =	simm.s32 @!p1 $0x0  }
0x14: {  	s2 =	sld [smem:$0x3F7F];
	s0 =	simm.s32 @p1 $0x1  }
0x15: {  	[smem:$0x3F9C] =	sst s0;
	s0 =	simm.s32 @!p2 $0x0  }
0x16: {  	s3 =	sld [smem:$0x3FDB];
	s0 =	simm.s32 @p2 $0x1  }
0x17: {  	s4 =	simm.s32 $0x1BF5;
	[smem:$0x3F9E] =	sst s0  }
0x18: {  	s0 =	sld [smem:$0x3F81];
	_ =	swait.ge [sflag:s4], $0x0  }
0x19: {  	s7 =	sld [smem:$0x3F82]  }
0x1a: {  	s8 =	sadd.s32 $0xFFFFE003, lr  }
0x1b: {  	s9 =	sadd.s32 $0xFFFFFEF7, lr;
	s5 =	simm.s32 $0xFFFFFFFF;
	p2 =	slt.u32 s8, $0xFFFFF086  }
0x1c: {  	p1 =	slt.u32 s9, $0xF7A;
	s5 =	simm.s32 @!p2 $0x0  }
0x1d: {  	s5 =	simm.s32 @p1 $0x1;
	p0 =	seq.s32 s7, s2  }
0x1e: {  	s7 =	smul.u32 @!p0 $0xF7A, s2;
	p2 =	seq.s32 @!p0 s5, $0x0  }
0x1f: {  	s9 =	smul.u32 $0xF7A, s1;
	s8 =	simm.s32 @!p0 $0x1BF5;
	p2 =	por !p2, p0  }
0x20: {  	[sflag:s8] =	ssyncset.s32 @!p0 $0xFFFFF086;
	s6 =	sadd.s32 @!p0 s3, s7;
	s7 =	simm.s32 @!p0 $0x108  }
0x21: {  	s3 =	sadd.s32 s3, s9;
	s6 =	sadd.s32 @!p0 $0x88, s6;
	s7 =	simm.s32 @p2 $0x1082  }
0x22: {  	[simem:s7], [sflag:s8] =	dma.local @!p0 [hbm:s6], $0xF7A  }
0x23: {  	s9 =	sor.u32 $0xD0000000, s2;
	s6 =	simm.s32 $0x108;
	_ =	swait.ge @!p0 [sflag:s8], $0x0  }
0x24: {  	s3 =	sadd.s32 $0x88, s3;
	s6 =	simm.s32 @!p1 $0x1082;
	[sflag:s4] =	ssyncset.s32 $0xFFFFF086  }
0x25: {  	[simem:s6], [sflag:s4] =	dma.local [hbm:s3], $0xF7A  }
0x26: {  	[smem:$0x3F82] =	sst s1;
	(tag) =	ssettag s2;
	_ =	strace s9  }
0x27: {  	s1 =	sld [smem:$0x3F92]  }
0x28: {  	s2 =	sld [smem:$0x3F93]  }
0x29: {  	s4 =	sld [smem:$0x3F95]  }
0x2a: {  	p0 =	seq.s32 s5, $0x0;
	s5 =	sld [smem:$0x3F96]  }
0x2b: {  	s6 =	sld [smem:$0x3F97]  }
0x2c: {  	s7 =	sld [smem:$0x3F98]  }
0x2d: {  	s3 =	simm.s32 $0x108;
	s8 =	sld [smem:$0x3F99]  }
0x2e: {  	s3 =	simm.s32 @!p0 $0x1082;
	s9 =	sld [smem:$0x3F9A]  }
0x2f: {  	lr =	sadd.s32 s0, s3;
	s0 =	sld [smem:$0x3F91]  }
0x30: {  	s3 =	sld [smem:$0x3F94]  }
0x31: {  	[smem:$0x3F9D] =	sst s10  }
0x32: {  	s10 =	sld [smem:$0x3F9B];
	_ =	sdelay $0x3  }
0x33: {  	p0 =	seq.s32 s10, $0x1;
	s10 =	sld [smem:$0x3F9D];
	_ =	sdelay $0x3  }
0x34: {  	[smem:$0x3F9D] =	sst s10  }
0x35: {  	s10 =	sld [smem:$0x3F9C];
	_ =	sdelay $0x3  }
0x36: {  	p1 =	seq.s32 s10, $0x1;
	s10 =	sld [smem:$0x3F9D];
	_ =	sdelay $0x3  }
0x37: {  	[smem:$0x3F9D] =	sst s10  }
0x38: {  	s10 =	sld [smem:$0x3F9E]  }
0x39: {  	_ = 	snop;
	(pc) =	sbr.ind lr, $3  }
0x3a: {  	_ = 	snop  }
0x3b: {  	_ = 	snop  }
0x3c: {  	p2 =	seq.s32 s10, $0x1;
	s10 =	sld [smem:$0x3F9D]  }
0x3d: {  	_ =	shalt  }
0x3e: {  	_ =	shalt  }
0x3f: {  	_ =	shalt  }
0x40: {  	_ =	shalt  }
0x41: {  	_ =	shalt  }
0x42: {  	_ =	shalt  }
0x43: {  	_ =	shalt  }
0x44: {  	_ =	shalt  }
0x45: {  	_ =	shalt  }
0x46: {  	_ =	shalt  }
0x47: {  	_ =	shalt  }
0x48: {  	_ =	shalt  }
0x49: {  	_ =	shalt  }
0x4a: {  	_ =	shalt  }
0x4b: {  	_ =	shalt  }
0x4c: {  	_ =	shalt  }
0x4d: {  	_ =	shalt  }
0x4e: {  	_ =	shalt  }
0x4f: {  	_ =	shalt  }
0x50: {  	_ =	shalt  }
0x51: {  	_ =	shalt  }
0x52: {  	_ =	shalt  }
0x53: {  	_ =	shalt  }
0x54: {  	_ =	shalt  }
0x55: {  	_ =	shalt  }
0x56: {  	_ =	shalt  }
0x57: {  	_ =	shalt  }
0x58: {  	_ =	shalt  }
0x59: {  	_ =	shalt  }
0x5a: {  	_ =	shalt  }
0x5b: {  	_ =	shalt  }
0x5c: {  	_ =	shalt  }
0x5d: {  	_ =	shalt  }
0x5e: {  	_ =	shalt  }
0x5f: {  	_ =	shalt  }
0x60: {  	_ =	shalt  }
0x61: {  	_ =	shalt  }
0x62: {  	_ =	shalt  }
0x63: {  	_ =	shalt  }
0x64: {  	_ =	shalt  }
0x65: {  	_ =	shalt  }
0x66: {  	_ =	shalt  }
0x67: {  	_ =	shalt  }
0x68: {  	_ =	shalt  }
0x69: {  	_ =	shalt  }
0x6a: {  	_ =	shalt  }
0x6b: {  	_ =	shalt  }
0x6c: {  	_ =	shalt  }
0x6d: {  	_ =	shalt  }
0x6e: {  	_ =	shalt  }
0x6f: {  	_ =	shalt  }
0x70: {  	_ =	shalt  }
0x71: {  	_ =	shalt  }
0x72: {  	_ =	shalt  }
0x73: {  	_ =	shalt  }
0x74: {  	_ =	shalt  }
0x75: {  	_ =	shalt  }
0x76: {  	_ =	shalt  }
0x77: {  	_ =	shalt  }
0x78: {  	_ =	shalt  }
0x79: {  	_ =	shalt  }
0x7a: {  	_ =	shalt  }
0x7b: {  	_ =	shalt  }
0x7c: {  	_ =	shalt  }
0x7d: {  	_ =	shalt  }
0x7e: {  	_ =	shalt  }
0x7f: {  	_ =	shalt  }
0x80: {  	_ =	shalt  }
0x81: {  	_ =	shalt  }
0x82: {  	_ =	shalt  }
0x83: {  	_ =	shalt  }
0x84: {  	_ =	shalt  }
0x85: {  	_ =	shalt  }
0x86: {  	_ =	shalt  }
0x87: {  	_ =	shalt  }
.Lfunc_end0:
.L_simem_size_0:
called_computation.5_lowered:
.L_overlay_start_0:
0x88: {  	s2 =	sld [smem:$0x3FD9]  }
0x89: {  	s3 =	sld [smem:$0x3FFE];
	_ =	sdelay $0x1  }
0x8a: {  	s1 =	srdreg.scid  }
0x8b: {  	s0 =	sand.u32 $0x1, s1  }
0x8c: {  	s17 =	sshll.u32 s0, $0xA;
	s2 =	sadd.s32 s3, s2  }
0x8d: {  	s2 =	sadd.s32 s2, s17  }
0x8e: {  	[smem:$0x3FA9] =	sst s2  }
0x8f: {  	_ = 	snop  }
0x90: {  	s2 =	sld [smem:$0x3FD0];
	(tm) =	ssettm $0x1  }
0x91: {  	s18 =	sld [smem:$0x3FFB];
	_ =	sdelay $0x3  }
0x92: {  	_ =	strace s18  }
0x93: {  	s3 =	sld [smem:$0x3FFC];
	_ =	sdelay $0x3  }
0x94: {  	_ =	strace s3  }
0x95: {  	s3 =	sld [smem:$0x3FFD];
	_ =	sdelay $0x3  }
0x96: {  	_ =	strace s3  }
0x97: {  	_ =	strace $0x8FFFFFFF  }
0x98: {  	s19 =	sld [smem:$0x3FDB];
	_ =	sdelay $0x1  }
0x99: {  	s4 =	simm.s32 $_scs_section_size  }
0x9a: {  	s5 =	simm.s32 $_size__tile_overlayer_lowered;
	s6 =	simm.s32 $_tile_overlayer_lowered  }
0x9b: {  	s22 =	simm.s32 $0x1BFF;
	s21 =	sshll.u32 s6, $0x1;
	s3 =	sadd.s32 s4, s19  }
0x9c: {  	s7 =	simm.s32 $0x0;
	s20 =	sshll.u32 s5, $0x1;
	s5 =	sadd.s32 s21, s3  }
0x9d: {  	[timem:s7], [sflag:s22] =	dma.local [hbm:s5], s20  }
0x9e: {  	_ =	swait.ge [sflag:s22], s20  }
0x9f: {  	s4 =	ssub.s32 $0x0, s20;
	[sflag:s22] =	ssyncset.done $0x0  }
0xa0: {  	[sflag:s22] =	ssyncadd.s32 s4;
	_ =	sdelay $0x1  }
0xa1: {  	s23 =	simm.s32 $0x1B8B  }
0xa2: {  	_ =	swait.ge [sflag:s23], $0x1  }
0xa3: {  	[sflag:s23] =	ssyncset.done $0x0  }
0xa4: {  	s25 =	simm.s32 $0x1B8E;
	s24 =	sld [smem:$0x3FFE];
	[sflag:s23] =	ssyncadd.s32 $0xFFFFFFFF  }
0xa5: {  	s26 =	simm.s32 $execute0_lowered;
	[smem:$0x3FD2] =	sst s25  }
0xa6: {  	s5 =	sshll.u32 s26, $0x1;
	_ =	strace $0x80000049;
	[dreg:$0x1] =	wrdreg $0xFFFFFFFF  }
0xa7: {  	s28 =	simm.s32 $_size_execute0_lowered;
	s3 =	sadd.s32 s3, s5;
	[dreg:$0x0] =	wrdreg $0x0  }
0xa8: {  	s5 =	sshll.u32 s28, $0x1;
	[dreg:$0x2] =	wrdreg s3  }
0xa9: {  	[dreg:$0x3] =	wrdreg s5  }
0xaa: {  	[dreg:$0x4] =	wrdreg $0xC0  }
0xab: {  	_ =	task [dreg:s7], $0x5FFFF  }
0xac: {  	[dreg:$0x1] =	wrdreg $0xFFFFFFFF  }
0xad: {  	[dreg:$0x0] =	wrdreg $0x60  }
0xae: {  	[dreg:$0x2] =	wrdreg s24  }
0xaf: {  	[dreg:$0x3] =	wrdreg s2  }
0xb0: {  	[dreg:$0x4] =	wrdreg $0x9  }
0xb1: {  	_ =	task.clear_ibuf [dreg:s7], $0x5FFFF;
	_ =	strace $0x90000049  }
0xb2: {  	s29 =	simm.s32 $0x9;
	_ =	strace $0x8000004B  }
0xb3: {  	_ =	swait.ge [sflag:s29], $0x1  }
0xb4: {  	[sflag:s29] =	ssyncadd.s32 $0xFFFFFFFF  }
0xb5: {  	_ =	strace $0x9000004B  }
0xb6: {  	_ =	sfence  }
0xb7: {  	s30 =	sld [smem:$0x0];
	_ =	sdelay $0x2  }
0xb8: {  	s31 =	sshll.u32 s1, $0xD;
	s1 =	sshrl.u32 s1, $0x2  }
0xb9: {  	s3 =	sand.u32 $0x4000, s31;
	s1 =	sadd.s32 s1, s30  }
0xba: {  	s0 =	sor.u32 s3, s0;
	s1 =	sshll.u32 s1, $0x11  }
0xbb: {  	s0 =	sor.u32 s1, s0  }
0xbc: {  	s0 =	sadd.s32 $0x8F2B, s0  }
0xbd: {  	[sflag:s0] =	ssyncadd.remote.s32 $0x1  }
0xbe: {  	_ =	sfence.sel $0xFFFF  }
0xbf: {  	[dreg:$0x0] =	wrdreg $0xFFFFFFFF;
	(pc) =	sbr.abs _section_cstart, $3  }
0xc0: {  	[dreg:$0x1] =	wrdreg $0xFFFFFFFF  }
0xc1: {  	_ =	task.clear_ibuf [dreg:s7], $0x2FFFF;
	_ =	strace $0x9FFFFFFF  }
0xc2: {  	(tm) =	ssettm $0x7FFFFFFF  }
0xc3: {  	_ =	shalt  }
tec
execute0_lowered:
.L_overlay_start_1:
0x0: {  	(tag) =	ssettag $0x1  }
0x1: {  	s7 =	rddreg [dreg:$0x0]  }
0x2: {  	s2 =	rddreg [dreg:$0x1]  }
0x3: {  	s0 =	rddreg [dreg:$0x2]  }
0x4: {  	s1 =	srdreg.scid;
	_ =	strace $0x8000004A;
	s4 =	simm.s32 $0x1  }
0x5: {  	s9 =	simm.s32 $0x3;
	s12 =	simm.s32 $0x0;
	s5 =	sshll.u32 s1, $0x4  }
.Ltmp0:
0x6: {  	s1 =	stileid.u32;
	s5 =	sand.u32 $0x10, s5;
	(pc) =	sbr.rel .LBB2_1-.Ltmp0, $4  }
0x7: {  	s10 =	simm.s32 $0x0;
	s3 =	sadd.s32 $0x200A00, s7;
	s6 =	sor.u32 s1, s5  }
0x8: {  	[sflag:s4] =	ssyncpa.u1 $0x0;
	s5 =	simm.s32 $0x2;
	s6 =	sshll.u32 s6, $0x8  }
0x9: {  	s7 =	sadd.s32 $0x241000, s7;
	[sflag:s5] =	ssyncpa.u1 $0x0;
	s8 =	sadd.s32 $0x100, s6  }
0xa: {  	vm0 =	vmmov $0xff;
	vm1 =	vcmask $0x3F20;
	[sflag:s9] =	ssyncpa.u1 $0x0;
	s9 =	simm.s32 $0x100;
	s11 =	smov.u32 s6  }
.LBB2_9:
0xb: {  	p0 =	seq.s32 s10, $0x2  }
.Ltmp1:
0xc: {  	_ = 	snop;
	(pc) =	sbr.rel @p0 .LBB2_11-.Ltmp1, $1  }
0xd: {  	_ =	sdelay $0x3  }
.LBB2_10:
0xe: {  	s12 =	sadd.s32 $0x100, s11  }
0xf: {  	s13 =	smov.u32 s6;
	p0 =	slt.s32 s12, s8  }
0x10: {  	s13 =	smov.u32 @p0 s12  }
0x11: {  	s10 =	sadd.s32 $0x1, s10;
	s12 =	smov.u32 s11;
	s11 =	smov.u32 s13  }
.LBB2_1:
0x12: {  	p0 =	sne.s32 s10, $0x0  }
.Ltmp2:
0x13: {  	_ = 	snop;
	(pc) =	sbr.rel @!p0 .LBB2_2-.Ltmp2, $1  }
0x14: {  	_ =	sdelay $0x3  }
0x15: {  	s13 =	sand.u32 $0x1, s10  }
0x16: {  	p0 =	seq.s32 s13, $0x0  }
.Ltmp3:
0x17: {  	_ = 	snop;
	(pc) =	sbr.rel @p0 .LBB2_9-.Ltmp3, $1  }
0x18: {  	_ =	sdelay $0x3  }
0x19: {  	_ =	swait.ge [sflag:s5], $0x100  }
0x1a: {  	[sflag:s5] =	ssyncset.done $0x0  }
0x1b: {  	s13 =	simm.s32 $0x0;
	[sflag:s5] =	ssyncadd.s32 $0xFFFFFF00  }
0x1c: {  	v0 =	vld.msk [tilespmem:s13+$0x100 ss:$0x1], $0xffff;
	_ =	sdelay $0x4  }
0x1d: {  	v1 =	vshll.u32 v0, $0x3  }
0x1e: {  	vm2 =	veq.s32 v0, $0x80000000;
	v0 =	vshll.u32 v0, $0x11;
	v1 =	vand.u32 $0x1FF80, v1  }
0x1f: {  	v0 =	vand.u32 $0x1E0000, v0;
	v1 =	vsel vm2, $0xFFFFFF80, v1  }
0x20: {  	v0 =	vsel vm2, $0xFFFE0000, v0;
	v2 =	vand.u32 $0xFFFFFC00, v1  }
0x21: {  	v1 =	vand.u32 $0x380, v1;
	v0 =	vadd.s32 v0, v2  }
0x22: {  	v0 =	vor.u32 v1, v0  }
0x23: {  	v0 =	vshrl.u32 v0, $0x3;
	_ =	sdelay $0x3  }
0x24: {  	s13 =	simm.s32 $0x8200  }
0x25: {  	[tilespmem:s13], [sflag:$0x1] =	stream.indirect_vreg.gather [hbm:s3], $0x80, v0, vm0, $0x38;
	[tilespmem:$0x10200] =	vst v63  }
0x26: {  	s14 =	simm.s32 $0x8600;
	s31 =	simm.s32 $0x10  }
0x27: {  	[tilespmem:s14], [sflag:$0x1] =	stream.indirect_vreg.gather [hbm:s3], $0x80, v0, vm1, $0x38;
	[tilespmem:$0x10200] =	vst v63  }
0x28: {  	s14 =	simm.s32 $0x80;
	v0 =	vld.msk [tilespmem:s31+$0x100 ss:$0x1], $0xffff  }
.LBB2_5:
0x29: {  	p0 =	sne.s32 s14, $0x3C0;
	_ =	sdelay $0x4  }
0x2a: {  	v1 =	vshll.u32 v0, $0x3  }
0x2b: {  	vm2 =	veq.s32 v0, $0x80000000;
	v0 =	vshll.u32 v0, $0x11;
	v1 =	vand.u32 $0x1FF80, v1  }
0x2c: {  	v0 =	vand.u32 $0x1E0000, v0;
	v1 =	vsel vm2, $0xFFFFFF80, v1  }
0x2d: {  	v0 =	vsel vm2, $0xFFFE0000, v0;
	v2 =	vand.u32 $0xFFFFFC00, v1  }
0x2e: {  	v1 =	vand.u32 $0x380, v1;
	v0 =	vadd.s32 v0, v2  }
0x2f: {  	v0 =	vor.u32 v1, v0  }
0x30: {  	v0 =	vshrl.u32 v0, $0x3;
	_ =	sdelay $0x3  }
.Ltmp4:
0x31: {  	s13 =	sadd.s32 $0x800, s13;
	(pc) =	sbr.rel @p0 .LBB2_5-.Ltmp4, $4  }
0x32: {  	[tilespmem:s13], [sflag:$0x1] =	stream.indirect_vreg.gather [hbm:s3], $0x80, v0, vm0, $0x38;
	[tilespmem:$0x10200] =	vst v63  }
0x33: {  	s15 =	sshra.s32 s14, $0x2;
	s16 =	sadd.s32 $0x400, s13  }
0x34: {  	[tilespmem:s16], [sflag:$0x1] =	stream.indirect_vreg.gather [hbm:s3], $0x80, v0, vm1, $0x38;
	[tilespmem:$0x10200] =	vst v63  }
0x35: {  	s14 =	sadd.s32 $0x40, s14;
	v0 =	vld.msk [tilespmem:s15+$0x100 ss:$0x1], $0xffff  }
0x36: {  	_ =	sdelay $0x3  }
0x37: {  	v1 =	vshll.u32 v0, $0x3  }
0x38: {  	vm2 =	veq.s32 v0, $0x80000000;
	v63 =	vshll.u32 v0, $0x11;
	v1 =	vand.u32 $0x1FF80, v1  }
0x39: {  	v0 =	vand.u32 $0x1E0000, v63;
	v1 =	vsel vm2, $0xFFFFFF80, v1  }
0x3a: {  	v0 =	vsel vm2, $0xFFFE0000, v0;
	v2 =	vand.u32 $0xFFFFFC00, v1  }
0x3b: {  	v1 =	vand.u32 $0x380, v1;
	v0 =	vadd.s32 v0, v2  }
0x3c: {  	v0 =	vor.u32 v1, v0  }
0x3d: {  	v0 =	vshrl.u32 v0, $0x3;
	_ =	sdelay $0x3  }
0x3e: {  	s13 =	sadd.s32 $0x800, s13  }
0x3f: {  	[tilespmem:s13], [sflag:$0x1] =	stream.indirect_vreg.gather [hbm:s3], $0x80, v0, vm0, $0x38;
	[tilespmem:$0x10200] =	vst v63  }
0x40: {  	s13 =	sadd.s32 $0x400, s13  }
0x41: {  	[tilespmem:s13], [sflag:$0x1] =	stream.indirect_vreg.gather [hbm:s3], $0x80, v0, vm1, $0x38;
	[tilespmem:$0x10200] =	vst v63  }
0x42: {  	s12 =	sshll.u32 s12, $0x4;
	s14 =	simm.s32 $0x80;
	_ =	swait.ge [sflag:s4], $0x8000  }
0x43: {  	s15 =	simm.s32 $0x8600;
	s12 =	sadd.s32 s12, s7;
	[sflag:s4] =	ssyncset.done $0x0  }
0x44: {  	s16 =	sadd.s32 $0x0, s12;
	s13 =	simm.s32 $0x8200;
	[sflag:s4] =	ssyncadd.s32 $0xFFFF8000  }
.LBB2_7:
0x45: {  	[hbm:s16] =	stream.linear.scatter [tilespmem:s13], [sflag:$0x3], $0x400, $0x38;
	[tilespmem:$0x10200] =	vst v63  }
0x46: {  	s16 =	smov.u32 s14;
	s13 =	smov.u32 s15;
	p0 =	sne.s32 s14, $0xF80  }
.Ltmp5:
0x47: {  	s14 =	sadd.s32 $0x80, s14;
	(pc) =	sbr.rel @p0 .LBB2_7-.Ltmp5, $2  }
0x48: {  	_ =	sdelay $0x2  }
0x49: {  	s15 =	sadd.s32 $0x400, s15;
	s16 =	sadd.s32 s16, s12  }
.Ltmp6:
0x4a: {  	(pc) =	sbr.rel .LBB2_9-.Ltmp6, $2  }
0x4b: {  	_ =	sdelay $0x2  }
0x4c: {  	[hbm:s16] =	stream.linear.scatter [tilespmem:s13], [sflag:$0x3], $0x400, $0x38;
	[tilespmem:$0x10200] =	vst v63  }
.LBB2_2:
.Ltmp7:
0x4d: {  	(pc) =	sbr.rel .LBB2_10-.Ltmp7, $4  }
0x4e: {  	_ = 	snop  }
0x4f: {  	s12 =	sshrl.u32 s11, $0x3  }
0x50: {  	s13 =	sand.u32 $0x7, s11;
	s12 =	sadd.s32 s2, s12  }
0x51: {  	[tilespmem:s9], [sflag:$0x2] =	stream.linear.gather [hbm4b:s12+s13], $0x100, $0x38;
	[tilespmem:$0x10200] =	vst v63  }
.LBB2_11:
0x52: {  	s2 =	simm.s32 $0x3  }
0x53: {  	_ =	swait.ge [sflag:s2], $0x8000  }
0x54: {  	[sflag:s2] =	ssyncset.done $0x0  }
0x55: {  	[sflag:s2] =	ssyncadd.s32 $0xFFFF8000  }
0x56: {  	_ =	sfence.sel $0x180000  }
0x57: {  	s3 =	simm.s32 $0x2;
	[bflag:$0x0] =	sbarrier.arrive $0xFFFF  }
0x58: {  	[sflag:s3] =	ssyncpa.u1 $0x1  }
0x59: {  	s31 =	simm.s32 $0x1;
	[sflag:s2] =	ssyncpa.u1 $0x1  }
0x5a: {  	[sflag:s31] =	ssyncpa.u1 $0x1  }
0x5b: {  	p0 =	sne.s32 s1, $0x0;
	_ =	strace $0x9000004A  }
0x5c: {  	s0 =	sadd.s32 @!p0 $0x100000, s0;
	[bflag:$0x2] =	sbarrier.arrive $0xFFFF  }
0x5d: {  	[sflag:s0] =	ssyncadd.tile.s32 @!p0 $0x1;
	_ =	shalt  }
.Lfunc_end2:
_tile_overlayer_lowered:
.L_overlay_start_2:
0x5e: {  	(tag) =	ssettag $0x2  }
0x5f: {  	s0 =	rddreg [dreg:$0x0];
	s2 =	stileid.u32  }
0x60: {  	s1 =	rddreg [dreg:$0x1];
	p0 =	sne.s32 s2, $0x0  }
0x61: {  	s3 =	rddreg [dreg:$0x2];
	[bflag:$0x3] =	sbarrier.arrive $0xFFFF;
	s2 =	simm.s32 @!p0 $0x1C01  }
0x62: {  	[timem:s3], [sflag:s2] =	dma.local @!p0 [hbm:s0], s1  }
0x63: {  	s0 =	simm.s32 @!p0 $0x1  }
0x64: {  	_ =	swait.ge @!p0 [sflag:s0], s1  }
0x65: {  	s1 =	ssub.s32 @!p0 $0x0, s1;
	[sflag:s0] =	ssyncset.done @!p0 $0x0  }
0x66: {  	[sflag:s0] =	ssyncadd.s32 @!p0 s1  }
0x67: {  	[bflag:$0x3] =	sbarrier.arrive $0xFFFF  }
0x68: {  	_ =	shalt  }

// kernel: gather_offload_async_start.2
scs
__scs_entry_jumppad:
0x0: {  	(pc) =	sbr.rel $0x88, $3  }
0x1: {  	(tag) =	ssettag $0x0;
	lr =	simm.s32 $0x1  }
0x2: {  	[smem:$0x3F82] =	sst lr;
	_ =	strace $0xD0000000  }
0x3: {  	_ = 	snop  }
0x4: {  	_ = 	snop  }
0x5: {  	_ = 	snop  }
0x6: {  	_ = 	snop  }
0x7: {  	_ = 	snop  }
__scs_overlays_trampoline_lowered:
0x8: {  	[smem:$0x3F91] =	sst s0  }
0x9: {  	[smem:$0x3F92] =	sst s1  }
0xa: {  	[smem:$0x3F93] =	sst s2  }
0xb: {  	[smem:$0x3F94] =	sst s3  }
0xc: {  	[smem:$0x3F95] =	sst s4  }
0xd: {  	[smem:$0x3F96] =	sst s5  }
0xe: {  	[smem:$0x3F97] =	sst s6  }
0xf: {  	[smem:$0x3F98] =	sst s7  }
0x10: {  	[smem:$0x3F99] =	sst s8  }
0x11: {  	[smem:$0x3F9A] =	sst s9;
	s0 =	simm.s32 @!p0 $0x0  }
0x12: {  	s1 =	sld [smem:$0x3F80];
	s0 =	simm.s32 @p0 $0x1  }
0x13: {  	[smem:$0x3F9B] =	sst s0;
	s0 =	simm.s32 @!p1 $0x0  }
0x14: {  	s2 =	sld [smem:$0x3F7F];
	s0 =	simm.s32 @p1 $0x1  }
0x15: {  	[smem:$0x3F9C] =	sst s0;
	s0 =	simm.s32 @!p2 $0x0  }
0x16: {  	s3 =	sld [smem:$0x3FDB];
	s0 =	simm.s32 @p2 $0x1  }
0x17: {  	s4 =	simm.s32 $0x1BF5;
	[smem:$0x3F9E] =	sst s0  }
0x18: {  	s0 =	sld [smem:$0x3F81];
	_ =	swait.ge [sflag:s4], $0x0  }
0x19: {  	s7 =	sld [smem:$0x3F82]  }
0x1a: {  	s8 =	sadd.s32 $0xFFFFE003, lr  }
0x1b: {  	s9 =	sadd.s32 $0xFFFFFEF7, lr;
	s5 =	simm.s32 $0xFFFFFFFF;
	p2 =	slt.u32 s8, $0xFFFFF086  }
0x1c: {  	p1 =	slt.u32 s9, $0xF7A;
	s5 =	simm.s32 @!p2 $0x0  }
0x1d: {  	s5 =	simm.s32 @p1 $0x1;
	p0 =	seq.s32 s7, s2  }
0x1e: {  	s7 =	smul.u32 @!p0 $0xF7A, s2;
	p2 =	seq.s32 @!p0 s5, $0x0  }
0x1f: {  	s9 =	smul.u32 $0xF7A, s1;
	s8 =	simm.s32 @!p0 $0x1BF5;
	p2 =	por !p2, p0  }
0x20: {  	[sflag:s8] =	ssyncset.s32 @!p0 $0xFFFFF086;
	s6 =	sadd.s32 @!p0 s3, s7;
	s7 =	simm.s32 @!p0 $0x108  }
0x21: {  	s3 =	sadd.s32 s3, s9;
	s6 =	sadd.s32 @!p0 $0x88, s6;
	s7 =	simm.s32 @p2 $0x1082  }
0x22: {  	[simem:s7], [sflag:s8] =	dma.local @!p0 [hbm:s6], $0xF7A  }
0x23: {  	s9 =	sor.u32 $0xD0000000, s2;
	s6 =	simm.s32 $0x108;
	_ =	swait.ge @!p0 [sflag:s8], $0x0  }
0x24: {  	s3 =	sadd.s32 $0x88, s3;
	s6 =	simm.s32 @!p1 $0x1082;
	[sflag:s4] =	ssyncset.s32 $0xFFFFF086  }
0x25: {  	[simem:s6], [sflag:s4] =	dma.local [hbm:s3], $0xF7A  }
0x26: {  	[smem:$0x3F82] =	sst s1;
	(tag) =	ssettag s2;
	_ =	strace s9  }
0x27: {  	s1 =	sld [smem:$0x3F92]  }
0x28: {  	s2 =	sld [smem:$0x3F93]  }
0x29: {  	s4 =	sld [smem:$0x3F95]  }
0x2a: {  	p0 =	seq.s32 s5, $0x0;
	s5 =	sld [smem:$0x3F96]  }
0x2b: {  	s6 =	sld [smem:$0x3F97]  }
0x2c: {  	s7 =	sld [smem:$0x3F98]  }
0x2d: {  	s3 =	simm.s32 $0x108;
	s8 =	sld [smem:$0x3F99]  }
0x2e: {  	s3 =	simm.s32 @!p0 $0x1082;
	s9 =	sld [smem:$0x3F9A]  }
0x2f: {  	lr =	sadd.s32 s0, s3;
	s0 =	sld [smem:$0x3F91]  }
0x30: {  	s3 =	sld [smem:$0x3F94]  }
0x31: {  	[smem:$0x3F9D] =	sst s10  }
0x32: {  	s10 =	sld [smem:$0x3F9B];
	_ =	sdelay $0x3  }
0x33: {  	p0 =	seq.s32 s10, $0x1;
	s10 =	sld [smem:$0x3F9D];
	_ =	sdelay $0x3  }
0x34: {  	[smem:$0x3F9D] =	sst s10  }
0x35: {  	s10 =	sld [smem:$0x3F9C];
	_ =	sdelay $0x3  }
0x36: {  	p1 =	seq.s32 s10, $0x1;
	s10 =	sld [smem:$0x3F9D];
	_ =	sdelay $0x3  }
0x37: {  	[smem:$0x3F9D] =	sst s10  }
0x38: {  	s10 =	sld [smem:$0x3F9E]  }
0x39: {  	_ = 	snop;
	(pc) =	sbr.ind lr, $3  }
0x3a: {  	_ = 	snop  }
0x3b: {  	_ = 	snop  }
0x3c: {  	p2 =	seq.s32 s10, $0x1;
	s10 =	sld [smem:$0x3F9D]  }
0x3d: {  	_ =	shalt  }
0x3e: {  	_ =	shalt  }
0x3f: {  	_ =	shalt  }
0x40: {  	_ =	shalt  }
0x41: {  	_ =	shalt  }
0x42: {  	_ =	shalt  }
0x43: {  	_ =	shalt  }
0x44: {  	_ =	shalt  }
0x45: {  	_ =	shalt  }
0x46: {  	_ =	shalt  }
0x47: {  	_ =	shalt  }
0x48: {  	_ =	shalt  }
0x49: {  	_ =	shalt  }
0x4a: {  	_ =	shalt  }
0x4b: {  	_ =	shalt  }
0x4c: {  	_ =	shalt  }
0x4d: {  	_ =	shalt  }
0x4e: {  	_ =	shalt  }
0x4f: {  	_ =	shalt  }
0x50: {  	_ =	shalt  }
0x51: {  	_ =	shalt  }
0x52: {  	_ =	shalt  }
0x53: {  	_ =	shalt  }
0x54: {  	_ =	shalt  }
0x55: {  	_ =	shalt  }
0x56: {  	_ =	shalt  }
0x57: {  	_ =	shalt  }
0x58: {  	_ =	shalt  }
0x59: {  	_ =	shalt  }
0x5a: {  	_ =	shalt  }
0x5b: {  	_ =	shalt  }
0x5c: {  	_ =	shalt  }
0x5d: {  	_ =	shalt  }
0x5e: {  	_ =	shalt  }
0x5f: {  	_ =	shalt  }
0x60: {  	_ =	shalt  }
0x61: {  	_ =	shalt  }
0x62: {  	_ =	shalt  }
0x63: {  	_ =	shalt  }
0x64: {  	_ =	shalt  }
0x65: {  	_ =	shalt  }
0x66: {  	_ =	shalt  }
0x67: {  	_ =	shalt  }
0x68: {  	_ =	shalt  }
0x69: {  	_ =	shalt  }
0x6a: {  	_ =	shalt  }
0x6b: {  	_ =	shalt  }
0x6c: {  	_ =	shalt  }
0x6d: {  	_ =	shalt  }
0x6e: {  	_ =	shalt  }
0x6f: {  	_ =	shalt  }
0x70: {  	_ =	shalt  }
0x71: {  	_ =	shalt  }
0x72: {  	_ =	shalt  }
0x73: {  	_ =	shalt  }
0x74: {  	_ =	shalt  }
0x75: {  	_ =	shalt  }
0x76: {  	_ =	shalt  }
0x77: {  	_ =	shalt  }
0x78: {  	_ =	shalt  }
0x79: {  	_ =	shalt  }
0x7a: {  	_ =	shalt  }
0x7b: {  	_ =	shalt  }
0x7c: {  	_ =	shalt  }
0x7d: {  	_ =	shalt  }
0x7e: {  	_ =	shalt  }
0x7f: {  	_ =	shalt  }
0x80: {  	_ =	shalt  }
0x81: {  	_ =	shalt  }
0x82: {  	_ =	shalt  }
0x83: {  	_ =	shalt  }
0x84: {  	_ =	shalt  }
0x85: {  	_ =	shalt  }
0x86: {  	_ =	shalt  }
0x87: {  	_ =	shalt  }
.Lfunc_end0:
.L_simem_size_0:
called_computation.6_lowered:
.L_overlay_start_0:
0x88: {  	s2 =	sld [smem:$0x3FD9]  }
0x89: {  	s3 =	sld [smem:$0x3FFE];
	_ =	sdelay $0x1  }
0x8a: {  	s1 =	srdreg.scid  }
0x8b: {  	s0 =	sand.u32 $0x1, s1  }
0x8c: {  	s16 =	sshll.u32 s0, $0xA;
	s2 =	sadd.s32 s3, s2  }
0x8d: {  	s2 =	sadd.s32 s2, s16  }
0x8e: {  	[smem:$0x3FA9] =	sst s2  }
0x8f: {  	_ = 	snop  }
0x90: {  	(tm) =	ssettm $0x1  }
0x91: {  	s17 =	sld [smem:$0x3FFB];
	_ =	sdelay $0x3  }
0x92: {  	_ =	strace s17  }
0x93: {  	s2 =	sld [smem:$0x3FFC];
	_ =	sdelay $0x3  }
0x94: {  	_ =	strace s2  }
0x95: {  	s2 =	sld [smem:$0x3FFD];
	_ =	sdelay $0x3  }
0x96: {  	_ =	strace s2  }
0x97: {  	_ =	strace $0x8FFFFFFF  }
0x98: {  	s18 =	sld [smem:$0x3FDB];
	_ =	sdelay $0x1  }
0x99: {  	s19 =	simm.s32 $_scs_section_size  }
0x9a: {  	s4 =	simm.s32 $_size__tile_overlayer_lowered;
	s5 =	simm.s32 $_tile_overlayer_lowered  }
0x9b: {  	s22 =	simm.s32 $0x1BFF;
	s21 =	sshll.u32 s5, $0x1;
	s2 =	sadd.s32 s19, s18  }
0x9c: {  	s6 =	simm.s32 $0x0;
	s20 =	sshll.u32 s4, $0x1;
	s4 =	sadd.s32 s21, s2  }
0x9d: {  	[timem:s6], [sflag:s22] =	dma.local [hbm:s4], s20  }
0x9e: {  	_ =	swait.ge [sflag:s22], s20  }
0x9f: {  	s3 =	ssub.s32 $0x0, s20;
	[sflag:s22] =	ssyncset.done $0x0  }
0xa0: {  	[sflag:s22] =	ssyncadd.s32 s3;
	_ =	sdelay $0x1  }
0xa1: {  	s23 =	simm.s32 $0x1B8B  }
0xa2: {  	_ =	swait.ge [sflag:s23], $0x1  }
0xa3: {  	[sflag:s23] =	ssyncset.done $0x0  }
0xa4: {  	s25 =	simm.s32 $0x1B8E;
	s24 =	sld [smem:$0x3FFE];
	[sflag:s23] =	ssyncadd.s32 $0xFFFFFFFF  }
0xa5: {  	s26 =	simm.s32 $execute0_lowered;
	[smem:$0x3FD2] =	sst s25  }
0xa6: {  	s4 =	sshll.u32 s26, $0x1;
	_ =	strace $0x80000052;
	[dreg:$0x1] =	wrdreg $0xFFFFFFFF  }
0xa7: {  	s28 =	simm.s32 $_size_execute0_lowered;
	s2 =	sadd.s32 s2, s4;
	[dreg:$0x0] =	wrdreg $0x0  }
0xa8: {  	s4 =	sshll.u32 s28, $0x1;
	[dreg:$0x2] =	wrdreg s2  }
0xa9: {  	[dreg:$0x3] =	wrdreg s4  }
0xaa: {  	[dreg:$0x4] =	wrdreg $0xC0  }
0xab: {  	_ =	task [dreg:s6], $0x5FFFF  }
0xac: {  	[dreg:$0x1] =	wrdreg $0xFFFFFFFF  }
0xad: {  	[dreg:$0x0] =	wrdreg $0x60  }
0xae: {  	[dreg:$0x2] =	wrdreg s24  }
0xaf: {  	[dreg:$0x3] =	wrdreg $0xA  }
0xb0: {  	_ =	task.clear_ibuf [dreg:s6], $0x4FFFF;
	_ =	strace $0x90000052  }
0xb1: {  	s29 =	simm.s32 $0xA;
	_ =	strace $0x80000054  }
0xb2: {  	_ =	swait.ge [sflag:s29], $0x1  }
0xb3: {  	[sflag:s29] =	ssyncadd.s32 $0xFFFFFFFF  }
0xb4: {  	_ =	strace $0x90000054  }
0xb5: {  	_ =	sfence  }
0xb6: {  	s30 =	sld [smem:$0x0];
	_ =	sdelay $0x2  }
0xb7: {  	s31 =	sshll.u32 s1, $0xD;
	s1 =	sshrl.u32 s1, $0x2  }
0xb8: {  	s3 =	sand.u32 $0x4000, s31;
	s1 =	sadd.s32 s1, s30  }
0xb9: {  	s0 =	sor.u32 s3, s0;
	s1 =	sshll.u32 s1, $0x11  }
0xba: {  	s0 =	sor.u32 s1, s0  }
0xbb: {  	s0 =	sadd.s32 $0x8F2B, s0  }
0xbc: {  	[sflag:s0] =	ssyncadd.remote.s32 $0x1  }
0xbd: {  	_ =	sfence.sel $0xFFFF  }
0xbe: {  	[dreg:$0x0] =	wrdreg $0xFFFFFFFF;
	(pc) =	sbr.abs _section_cstart, $3  }
0xbf: {  	[dreg:$0x1] =	wrdreg $0xFFFFFFFF  }
0xc0: {  	_ =	task.clear_ibuf [dreg:s6], $0x2FFFF;
	_ =	strace $0x9FFFFFFF  }
0xc1: {  	(tm) =	ssettm $0x7FFFFFFF  }
tec
execute0_lowered:
.L_overlay_start_1:
0x0: {  	(tag) =	ssettag $0x1  }
0x1: {  	s7 =	rddreg [dreg:$0x0]  }
0x2: {  	s0 =	rddreg [dreg:$0x1];
	_ =	strace $0x80000053  }
0x3: {  	s1 =	srdreg.scid;
	s4 =	simm.s32 $0x1;
	s9 =	simm.s32 $0x3  }
0x4: {  	s12 =	simm.s32 $0x0;
	s10 =	simm.s32 $0x0;
	s5 =	sshll.u32 s1, $0x4  }
.Ltmp0:
0x5: {  	s1 =	stileid.u32;
	s5 =	sand.u32 $0x10, s5;
	(pc) =	sbr.rel .LBB2_1-.Ltmp0, $4  }
0x6: {  	s2 =	sadd.s32 $0x241000, s7;
	s3 =	sadd.s32 $0x240A00, s7;
	s6 =	sor.u32 s1, s5  }
0x7: {  	[sflag:s4] =	ssyncpa.u1 $0x0;
	s5 =	simm.s32 $0x2;
	s6 =	sshll.u32 s6, $0x7  }
0x8: {  	s7 =	sadd.s32 $0x112200, s7;
	[sflag:s5] =	ssyncpa.u1 $0x0;
	s8 =	sadd.s32 $0x80, s6  }
0x9: {  	vm0 =	vmmov $0xff;
	vm1 =	vcmask $0x3F20;
	[sflag:s9] =	ssyncpa.u1 $0x0;
	s9 =	simm.s32 $0x80;
	s11 =	smov.u32 s6  }
.LBB2_9:
0xa: {  	p0 =	seq.s32 s10, $0x2  }
.Ltmp1:
0xb: {  	_ = 	snop;
	(pc) =	sbr.rel @p0 .LBB2_11-.Ltmp1, $1  }
0xc: {  	_ =	sdelay $0x3  }
.LBB2_10:
0xd: {  	s12 =	sadd.s32 $0x80, s11  }
0xe: {  	s13 =	smov.u32 s6;
	p0 =	slt.s32 s12, s8  }
0xf: {  	s13 =	smov.u32 @p0 s12  }
0x10: {  	s10 =	sadd.s32 $0x1, s10;
	s12 =	smov.u32 s11;
	s11 =	smov.u32 s13  }
.LBB2_1:
0x11: {  	p0 =	sne.s32 s10, $0x0  }
.Ltmp2:
0x12: {  	_ = 	snop;
	(pc) =	sbr.rel @!p0 .LBB2_2-.Ltmp2, $1  }
0x13: {  	_ =	sdelay $0x3  }
0x14: {  	s13 =	sand.u32 $0x1, s10  }
0x15: {  	p0 =	seq.s32 s13, $0x0  }
.Ltmp3:
0x16: {  	_ = 	snop;
	(pc) =	sbr.rel @p0 .LBB2_9-.Ltmp3, $1  }
0x17: {  	_ =	sdelay $0x3  }
0x18: {  	_ =	swait.ge [sflag:s5], $0x80  }
0x19: {  	[sflag:s5] =	ssyncset.done $0x0  }
0x1a: {  	s13 =	simm.s32 $0x0;
	[sflag:s5] =	ssyncadd.s32 $0xFFFFFF80  }
0x1b: {  	v0 =	vld.msk [tilespmem:s13+$0x80 ss:$0x1], $0xffff;
	_ =	sdelay $0x4  }
0x1c: {  	v1 =	vshll.u32 v0, $0x3  }
0x1d: {  	vm2 =	veq.s32 v0, $0x80000000;
	v0 =	vshll.u32 v0, $0x10;
	v1 =	vand.u32 $0xFF80, v1  }
0x1e: {  	v0 =	vand.u32 $0xF0000, v0;
	v1 =	vsel vm2, $0xFFFFFF80, v1  }
0x1f: {  	v0 =	vsel vm2, $0xFFFF0000, v0;
	v2 =	vand.u32 $0xFFFFFC00, v1  }
0x20: {  	v1 =	vand.u32 $0x380, v1;
	v0 =	vadd.s32 v0, v2  }
0x21: {  	v0 =	vor.u32 v1, v0  }
0x22: {  	v0 =	vshrl.u32 v0, $0x3;
	_ =	sdelay $0x3  }
0x23: {  	s13 =	simm.s32 $0x4100  }
0x24: {  	[tilespmem:s13], [sflag:$0x1] =	stream.indirect_vreg.gather [hbm:s2], $0x80, v0, vm0, $0x38;
	[tilespmem:$0x8100] =	vst v63  }
0x25: {  	s14 =	simm.s32 $0x4500;
	s31 =	simm.s32 $0x10  }
0x26: {  	[tilespmem:s14], [sflag:$0x1] =	stream.indirect_vreg.gather [hbm:s2], $0x80, v0, vm1, $0x38;
	[tilespmem:$0x8100] =	vst v63  }
0x27: {  	s14 =	simm.s32 $0x80;
	v0 =	vld.msk [tilespmem:s31+$0x80 ss:$0x1], $0xffff  }
.LBB2_5:
0x28: {  	p0 =	sne.s32 s14, $0x1C0;
	_ =	sdelay $0x4  }
0x29: {  	v1 =	vshll.u32 v0, $0x3  }
0x2a: {  	vm2 =	veq.s32 v0, $0x80000000;
	v0 =	vshll.u32 v0, $0x10;
	v1 =	vand.u32 $0xFF80, v1  }
0x2b: {  	v0 =	vand.u32 $0xF0000, v0;
	v1 =	vsel vm2, $0xFFFFFF80, v1  }
0x2c: {  	v0 =	vsel vm2, $0xFFFF0000, v0;
	v2 =	vand.u32 $0xFFFFFC00, v1  }
0x2d: {  	v1 =	vand.u32 $0x380, v1;
	v0 =	vadd.s32 v0, v2  }
0x2e: {  	v0 =	vor.u32 v1, v0  }
0x2f: {  	v0 =	vshrl.u32 v0, $0x3;
	_ =	sdelay $0x3  }
.Ltmp4:
0x30: {  	s13 =	sadd.s32 $0x800, s13;
	(pc) =	sbr.rel @p0 .LBB2_5-.Ltmp4, $4  }
0x31: {  	[tilespmem:s13], [sflag:$0x1] =	stream.indirect_vreg.gather [hbm:s2], $0x80, v0, vm0, $0x38;
	[tilespmem:$0x8100] =	vst v63  }
0x32: {  	s15 =	sshra.s32 s14, $0x2;
	s16 =	sadd.s32 $0x400, s13  }
0x33: {  	[tilespmem:s16], [sflag:$0x1] =	stream.indirect_vreg.gather [hbm:s2], $0x80, v0, vm1, $0x38;
	[tilespmem:$0x8100] =	vst v63  }
0x34: {  	s14 =	sadd.s32 $0x40, s14;
	v0 =	vld.msk [tilespmem:s15+$0x80 ss:$0x1], $0xffff  }
0x35: {  	_ =	sdelay $0x3  }
0x36: {  	v1 =	vshll.u32 v0, $0x3  }
0x37: {  	vm2 =	veq.s32 v0, $0x80000000;
	v63 =	vshll.u32 v0, $0x10;
	v1 =	vand.u32 $0xFF80, v1  }
0x38: {  	v0 =	vand.u32 $0xF0000, v63;
	v1 =	vsel vm2, $0xFFFFFF80, v1  }
0x39: {  	v0 =	vsel vm2, $0xFFFF0000, v0;
	v2 =	vand.u32 $0xFFFFFC00, v1  }
0x3a: {  	v1 =	vand.u32 $0x380, v1;
	v0 =	vadd.s32 v0, v2  }
0x3b: {  	v0 =	vor.u32 v1, v0  }
0x3c: {  	v0 =	vshrl.u32 v0, $0x3;
	_ =	sdelay $0x3  }
0x3d: {  	s13 =	sadd.s32 $0x800, s13  }
0x3e: {  	[tilespmem:s13], [sflag:$0x1] =	stream.indirect_vreg.gather [hbm:s2], $0x80, v0, vm0, $0x38;
	[tilespmem:$0x8100] =	vst v63  }
0x3f: {  	s13 =	sadd.s32 $0x400, s13  }
0x40: {  	[tilespmem:s13], [sflag:$0x1] =	stream.indirect_vreg.gather [hbm:s2], $0x80, v0, vm1, $0x38;
	[tilespmem:$0x8100] =	vst v63  }
0x41: {  	s12 =	sshll.u32 s12, $0x4;
	s14 =	simm.s32 $0x80;
	_ =	swait.ge [sflag:s4], $0x4000  }
0x42: {  	s15 =	simm.s32 $0x4500;
	s12 =	sadd.s32 s12, s7;
	[sflag:s4] =	ssyncset.done $0x0  }
0x43: {  	s16 =	sadd.s32 $0x0, s12;
	s13 =	simm.s32 $0x4100;
	[sflag:s4] =	ssyncadd.s32 $0xFFFFC000  }
.LBB2_7:
0x44: {  	[hbm:s16] =	stream.linear.scatter [tilespmem:s13], [sflag:$0x3], $0x400, $0x38;
	[tilespmem:$0x8100] =	vst v63  }
0x45: {  	s16 =	smov.u32 s14;
	s13 =	smov.u32 s15;
	p0 =	sne.s32 s14, $0x780  }
.Ltmp5:
0x46: {  	s14 =	sadd.s32 $0x80, s14;
	(pc) =	sbr.rel @p0 .LBB2_7-.Ltmp5, $2  }
0x47: {  	_ =	sdelay $0x2  }
0x48: {  	s15 =	sadd.s32 $0x400, s15;
	s16 =	sadd.s32 s16, s12  }
.Ltmp6:
0x49: {  	(pc) =	sbr.rel .LBB2_9-.Ltmp6, $2  }
0x4a: {  	_ =	sdelay $0x2  }
0x4b: {  	[hbm:s16] =	stream.linear.scatter [tilespmem:s13], [sflag:$0x3], $0x400, $0x38;
	[tilespmem:$0x8100] =	vst v63  }
.LBB2_2:
.Ltmp7:
0x4c: {  	(pc) =	sbr.rel .LBB2_10-.Ltmp7, $4  }
0x4d: {  	_ = 	snop  }
0x4e: {  	s12 =	sshrl.u32 s11, $0x3  }
0x4f: {  	s13 =	sand.u32 $0x7, s11;
	s12 =	sadd.s32 s3, s12  }
0x50: {  	[tilespmem:s9], [sflag:$0x2] =	stream.linear.gather [hbm4b:s12+s13], $0x80, $0x38;
	[tilespmem:$0x8100] =	vst v63  }
.LBB2_11:
0x51: {  	s2 =	simm.s32 $0x3  }
0x52: {  	_ =	swait.ge [sflag:s2], $0x4000  }
0x53: {  	[sflag:s2] =	ssyncset.done $0x0  }
0x54: {  	[sflag:s2] =	ssyncadd.s32 $0xFFFFC000  }
0x55: {  	_ =	sfence.sel $0x180000  }
0x56: {  	s3 =	simm.s32 $0x2;
	[bflag:$0x0] =	sbarrier.arrive $0xFFFF  }
0x57: {  	[sflag:s3] =	ssyncpa.u1 $0x1  }
0x58: {  	s31 =	simm.s32 $0x1;
	[sflag:s2] =	ssyncpa.u1 $0x1  }
0x59: {  	[sflag:s31] =	ssyncpa.u1 $0x1  }
0x5a: {  	p0 =	sne.s32 s1, $0x0;
	_ =	strace $0x90000053  }
0x5b: {  	s0 =	sadd.s32 @!p0 $0x100000, s0;
	[bflag:$0x2] =	sbarrier.arrive $0xFFFF  }
0x5c: {  	[sflag:s0] =	ssyncadd.tile.s32 @!p0 $0x1;
	_ =	shalt  }
.Lfunc_end2:
_tile_overlayer_lowered:
.L_overlay_start_2:
0x5d: {  	(tag) =	ssettag $0x2  }
0x5e: {  	s0 =	rddreg [dreg:$0x0];
	s2 =	stileid.u32  }
0x5f: {  	s1 =	rddreg [dreg:$0x1];
	p0 =	sne.s32 s2, $0x0  }
0x60: {  	s3 =	rddreg [dreg:$0x2];
	[bflag:$0x3] =	sbarrier.arrive $0xFFFF;
	s2 =	simm.s32 @!p0 $0x1C01  }
0x61: {  	[timem:s3], [sflag:s2] =	dma.local @!p0 [hbm:s0], s1  }
0x62: {  	s0 =	simm.s32 @!p0 $0x1  }
0x63: {  	_ =	swait.ge @!p0 [sflag:s0], s1  }
0x64: {  	s1 =	ssub.s32 @!p0 $0x0, s1;
	[sflag:s0] =	ssyncset.done @!p0 $0x0  }
0x65: {  	[sflag:s0] =	ssyncadd.s32 @!p0 s1  }
0x66: {  	[bflag:$0x3] =	sbarrier.arrive $0xFFFF  }
0x67: {  	_ =	shalt  }

// kernel: gather_offload_async_start
scs
__scs_entry_jumppad:
0x0: {  	(pc) =	sbr.rel $0x88, $3  }
0x1: {  	(tag) =	ssettag $0x0;
	lr =	simm.s32 $0x1  }
0x2: {  	[smem:$0x3F82] =	sst lr;
	_ =	strace $0xD0000000  }
0x3: {  	_ = 	snop  }
0x4: {  	_ = 	snop  }
0x5: {  	_ = 	snop  }
0x6: {  	_ = 	snop  }
0x7: {  	_ = 	snop  }
__scs_overlays_trampoline_lowered:
0x8: {  	[smem:$0x3F91] =	sst s0  }
0x9: {  	[smem:$0x3F92] =	sst s1  }
0xa: {  	[smem:$0x3F93] =	sst s2  }
0xb: {  	[smem:$0x3F94] =	sst s3  }
0xc: {  	[smem:$0x3F95] =	sst s4  }
0xd: {  	[smem:$0x3F96] =	sst s5  }
0xe: {  	[smem:$0x3F97] =	sst s6  }
0xf: {  	[smem:$0x3F98] =	sst s7  }
0x10: {  	[smem:$0x3F99] =	sst s8  }
0x11: {  	[smem:$0x3F9A] =	sst s9;
	s0 =	simm.s32 @!p0 $0x0  }
0x12: {  	s1 =	sld [smem:$0x3F80];
	s0 =	simm.s32 @p0 $0x1  }
0x13: {  	[smem:$0x3F9B] =	sst s0;
	s0 =	simm.s32 @!p1 $0x0  }
0x14: {  	s2 =	sld [smem:$0x3F7F];
	s0 =	simm.s32 @p1 $0x1  }
0x15: {  	[smem:$0x3F9C] =	sst s0;
	s0 =	simm.s32 @!p2 $0x0  }
0x16: {  	s3 =	sld [smem:$0x3FDB];
	s0 =	simm.s32 @p2 $0x1  }
0x17: {  	s4 =	simm.s32 $0x1BF5;
	[smem:$0x3F9E] =	sst s0  }
0x18: {  	s0 =	sld [smem:$0x3F81];
	_ =	swait.ge [sflag:s4], $0x0  }
0x19: {  	s7 =	sld [smem:$0x3F82]  }
0x1a: {  	s8 =	sadd.s32 $0xFFFFE003, lr  }
0x1b: {  	s9 =	sadd.s32 $0xFFFFFEF7, lr;
	s5 =	simm.s32 $0xFFFFFFFF;
	p2 =	slt.u32 s8, $0xFFFFF086  }
0x1c: {  	p1 =	slt.u32 s9, $0xF7A;
	s5 =	simm.s32 @!p2 $0x0  }
0x1d: {  	s5 =	simm.s32 @p1 $0x1;
	p0 =	seq.s32 s7, s2  }
0x1e: {  	s7 =	smul.u32 @!p0 $0xF7A, s2;
	p2 =	seq.s32 @!p0 s5, $0x0  }
0x1f: {  	s9 =	smul.u32 $0xF7A, s1;
	s8 =	simm.s32 @!p0 $0x1BF5;
	p2 =	por !p2, p0  }
0x20: {  	[sflag:s8] =	ssyncset.s32 @!p0 $0xFFFFF086;
	s6 =	sadd.s32 @!p0 s3, s7;
	s7 =	simm.s32 @!p0 $0x108  }
0x21: {  	s3 =	sadd.s32 s3, s9;
	s6 =	sadd.s32 @!p0 $0x88, s6;
	s7 =	simm.s32 @p2 $0x1082  }
0x22: {  	[simem:s7], [sflag:s8] =	dma.local @!p0 [hbm:s6], $0xF7A  }
0x23: {  	s9 =	sor.u32 $0xD0000000, s2;
	s6 =	simm.s32 $0x108;
	_ =	swait.ge @!p0 [sflag:s8], $0x0  }
0x24: {  	s3 =	sadd.s32 $0x88, s3;
	s6 =	simm.s32 @!p1 $0x1082;
	[sflag:s4] =	ssyncset.s32 $0xFFFFF086  }
0x25: {  	[simem:s6], [sflag:s4] =	dma.local [hbm:s3], $0xF7A  }
0x26: {  	[smem:$0x3F82] =	sst s1;
	(tag) =	ssettag s2;
	_ =	strace s9  }
0x27: {  	s1 =	sld [smem:$0x3F92]  }
0x28: {  	s2 =	sld [smem:$0x3F93]  }
0x29: {  	s4 =	sld [smem:$0x3F95]  }
0x2a: {  	p0 =	seq.s32 s5, $0x0;
	s5 =	sld [smem:$0x3F96]  }
0x2b: {  	s6 =	sld [smem:$0x3F97]  }
0x2c: {  	s7 =	sld [smem:$0x3F98]  }
0x2d: {  	s3 =	simm.s32 $0x108;
	s8 =	sld [smem:$0x3F99]  }
0x2e: {  	s3 =	simm.s32 @!p0 $0x1082;
	s9 =	sld [smem:$0x3F9A]  }
0x2f: {  	lr =	sadd.s32 s0, s3;
	s0 =	sld [smem:$0x3F91]  }
0x30: {  	s3 =	sld [smem:$0x3F94]  }
0x31: {  	[smem:$0x3F9D] =	sst s10  }
0x32: {  	s10 =	sld [smem:$0x3F9B];
	_ =	sdelay $0x3  }
0x33: {  	p0 =	seq.s32 s10, $0x1;
	s10 =	sld [smem:$0x3F9D];
	_ =	sdelay $0x3  }
0x34: {  	[smem:$0x3F9D] =	sst s10  }
0x35: {  	s10 =	sld [smem:$0x3F9C];
	_ =	sdelay $0x3  }
0x36: {  	p1 =	seq.s32 s10, $0x1;
	s10 =	sld [smem:$0x3F9D];
	_ =	sdelay $0x3  }
0x37: {  	[smem:$0x3F9D] =	sst s10  }
0x38: {  	s10 =	sld [smem:$0x3F9E]  }
0x39: {  	_ = 	snop;
	(pc) =	sbr.ind lr, $3  }
0x3a: {  	_ = 	snop  }
0x3b: {  	_ = 	snop  }
0x3c: {  	p2 =	seq.s32 s10, $0x1;
	s10 =	sld [smem:$0x3F9D]  }
0x3d: {  	_ =	shalt  }
0x3e: {  	_ =	shalt  }
0x3f: {  	_ =	shalt  }
0x40: {  	_ =	shalt  }
0x41: {  	_ =	shalt  }
0x42: {  	_ =	shalt  }
0x43: {  	_ =	shalt  }
0x44: {  	_ =	shalt  }
0x45: {  	_ =	shalt  }
0x46: {  	_ =	shalt  }
0x47: {  	_ =	shalt  }
0x48: {  	_ =	shalt  }
0x49: {  	_ =	shalt  }
0x4a: {  	_ =	shalt  }
0x4b: {  	_ =	shalt  }
0x4c: {  	_ =	shalt  }
0x4d: {  	_ =	shalt  }
0x4e: {  	_ =	shalt  }
0x4f: {  	_ =	shalt  }
0x50: {  	_ =	shalt  }
0x51: {  	_ =	shalt  }
0x52: {  	_ =	shalt  }
0x53: {  	_ =	shalt  }
0x54: {  	_ =	shalt  }
0x55: {  	_ =	shalt  }
0x56: {  	_ =	shalt  }
0x57: {  	_ =	shalt  }
0x58: {  	_ =	shalt  }
0x59: {  	_ =	shalt  }
0x5a: {  	_ =	shalt  }
0x5b: {  	_ =	shalt  }
0x5c: {  	_ =	shalt  }
0x5d: {  	_ =	shalt  }
0x5e: {  	_ =	shalt  }
0x5f: {  	_ =	shalt  }
0x60: {  	_ =	shalt  }
0x61: {  	_ =	shalt  }
0x62: {  	_ =	shalt  }
0x63: {  	_ =	shalt  }
0x64: {  	_ =	shalt  }
0x65: {  	_ =	shalt  }
0x66: {  	_ =	shalt  }
0x67: {  	_ =	shalt  }
0x68: {  	_ =	shalt  }
0x69: {  	_ =	shalt  }
0x6a: {  	_ =	shalt  }
0x6b: {  	_ =	shalt  }
0x6c: {  	_ =	shalt  }
0x6d: {  	_ =	shalt  }
0x6e: {  	_ =	shalt  }
0x6f: {  	_ =	shalt  }
0x70: {  	_ =	shalt  }
0x71: {  	_ =	shalt  }
0x72: {  	_ =	shalt  }
0x73: {  	_ =	shalt  }
0x74: {  	_ =	shalt  }
0x75: {  	_ =	shalt  }
0x76: {  	_ =	shalt  }
0x77: {  	_ =	shalt  }
0x78: {  	_ =	shalt  }
0x79: {  	_ =	shalt  }
0x7a: {  	_ =	shalt  }
0x7b: {  	_ =	shalt  }
0x7c: {  	_ =	shalt  }
0x7d: {  	_ =	shalt  }
0x7e: {  	_ =	shalt  }
0x7f: {  	_ =	shalt  }
0x80: {  	_ =	shalt  }
0x81: {  	_ =	shalt  }
0x82: {  	_ =	shalt  }
0x83: {  	_ =	shalt  }
0x84: {  	_ =	shalt  }
0x85: {  	_ =	shalt  }
0x86: {  	_ =	shalt  }
0x87: {  	_ =	shalt  }
.Lfunc_end0:
.L_simem_size_0:
called_computation.4_lowered:
.L_overlay_start_0:
0x88: {  	s2 =	sld [smem:$0x3FD9]  }
0x89: {  	s3 =	sld [smem:$0x3FFE];
	_ =	sdelay $0x1  }
0x8a: {  	s1 =	srdreg.scid  }
0x8b: {  	s0 =	sand.u32 $0x1, s1  }
0x8c: {  	s16 =	sshll.u32 s0, $0xA;
	s2 =	sadd.s32 s3, s2  }
0x8d: {  	s2 =	sadd.s32 s2, s16  }
0x8e: {  	[smem:$0x3FA9] =	sst s2  }
0x8f: {  	_ = 	snop  }
0x90: {  	(tm) =	ssettm $0x1  }
0x91: {  	s17 =	sld [smem:$0x3FFB];
	_ =	sdelay $0x3  }
0x92: {  	_ =	strace s17  }
0x93: {  	s2 =	sld [smem:$0x3FFC];
	_ =	sdelay $0x3  }
0x94: {  	_ =	strace s2  }
0x95: {  	s2 =	sld [smem:$0x3FFD];
	_ =	sdelay $0x3  }
0x96: {  	_ =	strace s2  }
0x97: {  	_ =	strace $0x8FFFFFFF  }
0x98: {  	s18 =	sld [smem:$0x3FDB];
	_ =	sdelay $0x1  }
0x99: {  	s19 =	simm.s32 $_scs_section_size  }
0x9a: {  	s4 =	simm.s32 $_size__tile_overlayer_lowered;
	s5 =	simm.s32 $_tile_overlayer_lowered  }
0x9b: {  	s22 =	simm.s32 $0x1BFF;
	s21 =	sshll.u32 s5, $0x1;
	s2 =	sadd.s32 s19, s18  }
0x9c: {  	s6 =	simm.s32 $0x0;
	s20 =	sshll.u32 s4, $0x1;
	s4 =	sadd.s32 s21, s2  }
0x9d: {  	[timem:s6], [sflag:s22] =	dma.local [hbm:s4], s20  }
0x9e: {  	_ =	swait.ge [sflag:s22], s20  }
0x9f: {  	s3 =	ssub.s32 $0x0, s20;
	[sflag:s22] =	ssyncset.done $0x0  }
0xa0: {  	[sflag:s22] =	ssyncadd.s32 s3;
	_ =	sdelay $0x1  }
0xa1: {  	s23 =	simm.s32 $0x1B8B  }
0xa2: {  	_ =	swait.ge [sflag:s23], $0x1  }
0xa3: {  	[sflag:s23] =	ssyncset.done $0x0  }
0xa4: {  	s25 =	simm.s32 $0x1B8E;
	s24 =	sld [smem:$0x3FFE];
	[sflag:s23] =	ssyncadd.s32 $0xFFFFFFFF  }
0xa5: {  	s26 =	simm.s32 $execute0_lowered;
	[smem:$0x3FD2] =	sst s25  }
0xa6: {  	s4 =	sshll.u32 s26, $0x1;
	_ =	strace $0x80000046;
	[dreg:$0x1] =	wrdreg $0xFFFFFFFF  }
0xa7: {  	s28 =	simm.s32 $_size_execute0_lowered;
	s2 =	sadd.s32 s2, s4;
	[dreg:$0x0] =	wrdreg $0x0  }
0xa8: {  	s4 =	sshll.u32 s28, $0x1;
	[dreg:$0x2] =	wrdreg s2  }
0xa9: {  	[dreg:$0x3] =	wrdreg s4  }
0xaa: {  	[dreg:$0x4] =	wrdreg $0xC0  }
0xab: {  	_ =	task [dreg:s6], $0x5FFFF  }
0xac: {  	[dreg:$0x1] =	wrdreg $0xFFFFFFFF  }
0xad: {  	[dreg:$0x0] =	wrdreg $0x60  }
0xae: {  	[dreg:$0x2] =	wrdreg s24  }
0xaf: {  	[dreg:$0x3] =	wrdreg $0x9  }
0xb0: {  	_ =	task.clear_ibuf [dreg:s6], $0x4FFFF;
	_ =	strace $0x90000046  }
0xb1: {  	s29 =	simm.s32 $0x9;
	_ =	strace $0x80000048  }
0xb2: {  	_ =	swait.ge [sflag:s29], $0x1  }
0xb3: {  	[sflag:s29] =	ssyncadd.s32 $0xFFFFFFFF  }
0xb4: {  	_ =	strace $0x90000048  }
0xb5: {  	_ =	sfence  }
0xb6: {  	s30 =	sld [smem:$0x0];
	_ =	sdelay $0x2  }
0xb7: {  	s31 =	sshll.u32 s1, $0xD;
	s1 =	sshrl.u32 s1, $0x2  }
0xb8: {  	s3 =	sand.u32 $0x4000, s31;
	s1 =	sadd.s32 s1, s30  }
0xb9: {  	s0 =	sor.u32 s3, s0;
	s1 =	sshll.u32 s1, $0x11  }
0xba: {  	s0 =	sor.u32 s1, s0  }
0xbb: {  	s0 =	sadd.s32 $0x8F2B, s0  }
0xbc: {  	[sflag:s0] =	ssyncadd.remote.s32 $0x1  }
0xbd: {  	_ =	sfence.sel $0xFFFF  }
0xbe: {  	[dreg:$0x0] =	wrdreg $0xFFFFFFFF;
	(pc) =	sbr.abs _section_cstart, $3  }
0xbf: {  	[dreg:$0x1] =	wrdreg $0xFFFFFFFF  }
0xc0: {  	_ =	task.clear_ibuf [dreg:s6], $0x2FFFF;
	_ =	strace $0x9FFFFFFF  }
0xc1: {  	(tm) =	ssettm $0x7FFFFFFF  }
tec
execute0_lowered:
.L_overlay_start_1:
0x0: {  	(tag) =	ssettag $0x1  }
0x1: {  	s7 =	rddreg [dreg:$0x0]  }
0x2: {  	s0 =	rddreg [dreg:$0x1];
	_ =	strace $0x80000047  }
0x3: {  	s1 =	srdreg.scid;
	s4 =	simm.s32 $0x1;
	s9 =	simm.s32 $0x3  }
0x4: {  	s11 =	simm.s32 $0x0;
	p0 =	por $0x0, $0x0;
	s5 =	sshll.u32 s1, $0x4  }
.Ltmp0:
0x5: {  	s1 =	stileid.u32;
	s5 =	sand.u32 $0x10, s5;
	(pc) =	sbr.rel .LBB2_1-.Ltmp0, $4  }
0x6: {  	s2 =	sadd.s32 $0x200, s7;
	s3 =	sadd.s32 $0x200200, s7;
	s6 =	sor.u32 s1, s5  }
0x7: {  	[sflag:s4] =	ssyncpa.u1 $0x0;
	s5 =	simm.s32 $0x2;
	s6 =	sshll.u32 s6, $0x9  }
0x8: {  	s7 =	sadd.s32 $0x200A00, s7;
	[sflag:s5] =	ssyncpa.u1 $0x0;
	s8 =	sadd.s32 $0x200, s6  }
0x9: {  	vm0 =	vmmov $0xff;
	vm1 =	vcmask $0x3F20;
	[sflag:s9] =	ssyncpa.u1 $0x0;
	s10 =	smov.u32 s6;
	s9 =	simm.s32 $0x0  }
.LBB2_7:
0xa: {  	p1 =	slt.u32 s9, $0x2;
	s11 =	sadd.s32 $0x100, s10  }
0xb: {  	s13 =	smov.u32 s6;
	s9 =	sadd.s32 $0x1, s9;
	p2 =	slt.s32 s11, s8  }
0xc: {  	s13 =	smov.u32 @p2 s11;
	p2 =	sne.s32 s9, $0x4  }
.Ltmp1:
0xd: {  	_ = 	snop;
	(pc) =	sbr.rel @!p2 .LBB2_8-.Ltmp1, $4  }
0xe: {  	s12 =	simm.s32 @!p1 $0x3  }
0xf: {  	_ =	swait.ge @!p1 [sflag:s12], $0x8000  }
0x10: {  	p0 =	por !p0, !p0;
	[sflag:s12] =	ssyncset.done @!p1 $0x0  }
0x11: {  	s11 =	smov.u32 s10;
	s10 =	smov.u32 s13;
	[sflag:s12] =	ssyncadd.s32 @!p1 $0xFFFF8000  }
.LBB2_1:
0x12: {  	p1 =	sgt.u32 s9, $0x1  }
0x13: {  	s12 =	sshll.u32 @!p1 s9, $0x8;
	s13 =	sshrl.u32 @!p1 s10, $0x3  }
0x14: {  	s14 =	sand.u32 @!p1 $0x7, s10;
	s12 =	sxor.u32 @!p1 $0x100, s12;
	s13 =	sadd.s32 @!p1 s3, s13  }
0x15: {  	[tilespmem:s12], [sflag:$0x2] =	stream.linear.gather @!p1 [hbm4b:s13+s14], $0x100, $0x38;
	[tilespmem:$0x10200] =	vst v63  }
0x16: {  	p1 =	seq.s32 s9, $0x0  }
0x17: {  	p2 =	seq.s32 @!p1 s9, $0x3  }
0x18: {  	p1 =	por p1, p2  }
.Ltmp2:
0x19: {  	_ = 	snop;
	(pc) =	sbr.rel @p1 .LBB2_7-.Ltmp2, $1  }
0x1a: {  	_ =	sdelay $0x3  }
0x1b: {  	s12 =	simm.s32 $0x1  }
0x1c: {  	_ =	swait.ge [sflag:s5], $0x100;
	s12 =	simm.s32 @!p0 $0x0  }
0x1d: {  	[sflag:s5] =	ssyncset.done $0x0;
	s14 =	sshll.u32 s12, $0x8  }
0x1e: {  	[sflag:s5] =	ssyncadd.s32 $0xFFFFFF00;
	s13 =	sadd.s32 $0x0, s14  }
0x1f: {  	v0 =	vld.msk [tilespmem:s13+$0x0 ss:$0x1], $0xffff;
	_ =	sdelay $0x4  }
0x20: {  	v1 =	vshll.u32 v0, $0x3  }
0x21: {  	vm2 =	veq.s32 v0, $0x80000000;
	v0 =	vshll.u32 v0, $0x13;
	v1 =	vand.u32 $0x7FF80, v1  }
0x22: {  	v0 =	vand.u32 $0x780000, v0;
	v1 =	vsel vm2, $0xFFFFFF80, v1  }
0x23: {  	v0 =	vsel vm2, $0xFFF80000, v0;
	v2 =	vand.u32 $0xFFFFFC00, v1  }
0x24: {  	v1 =	vand.u32 $0x380, v1;
	v0 =	vadd.s32 v0, v2  }
0x25: {  	v0 =	vor.u32 v1, v0  }
0x26: {  	v0 =	vshrl.u32 v0, $0x3;
	_ =	sdelay $0x2  }
0x27: {  	s12 =	sshll.u32 s12, $0xF  }
0x28: {  	s12 =	sor.u32 $0x200, s12  }
0x29: {  	[tilespmem:s12], [sflag:$0x1] =	stream.indirect_vreg.gather [hbm:s2], $0x80, v0, vm0, $0x38;
	[tilespmem:$0x10200] =	vst v63  }
0x2a: {  	s15 =	sadd.s32 $0x10, s14;
	s13 =	sadd.s32 $0x400, s12  }
0x2b: {  	[tilespmem:s13], [sflag:$0x1] =	stream.indirect_vreg.gather [hbm:s2], $0x80, v0, vm1, $0x38;
	[tilespmem:$0x10200] =	vst v63  }
0x2c: {  	s16 =	simm.s32 $0x80;
	v0 =	vld.msk [tilespmem:s15+$0x0 ss:$0x1], $0xffff;
	s15 =	smov.u32 s12  }
.LBB2_3:
0x2d: {  	p1 =	sne.s32 s16, $0x3C0;
	_ =	sdelay $0x4  }
0x2e: {  	v1 =	vshll.u32 v0, $0x3  }
0x2f: {  	vm2 =	veq.s32 v0, $0x80000000;
	v0 =	vshll.u32 v0, $0x13;
	v1 =	vand.u32 $0x7FF80, v1  }
0x30: {  	v0 =	vand.u32 $0x780000, v0;
	v1 =	vsel vm2, $0xFFFFFF80, v1  }
0x31: {  	v0 =	vsel vm2, $0xFFF80000, v0;
	v2 =	vand.u32 $0xFFFFFC00, v1  }
0x32: {  	v1 =	vand.u32 $0x380, v1;
	v0 =	vadd.s32 v0, v2  }
0x33: {  	v0 =	vor.u32 v1, v0  }
0x34: {  	v0 =	vshrl.u32 v0, $0x3;
	_ =	sdelay $0x3  }
.Ltmp3:
0x35: {  	s17 =	sshra.s32 s16, $0x2;
	s15 =	sadd.s32 $0x800, s15;
	(pc) =	sbr.rel @p1 .LBB2_3-.Ltmp3, $4  }
0x36: {  	[tilespmem:s15], [sflag:$0x1] =	stream.indirect_vreg.gather [hbm:s2], $0x80, v0, vm0, $0x38;
	[tilespmem:$0x10200] =	vst v63  }
0x37: {  	s17 =	sadd.s32 s17, s14;
	s18 =	sadd.s32 $0x400, s15  }
0x38: {  	[tilespmem:s18], [sflag:$0x1] =	stream.indirect_vreg.gather [hbm:s2], $0x80, v0, vm1, $0x38;
	[tilespmem:$0x10200] =	vst v63  }
0x39: {  	s16 =	sadd.s32 $0x40, s16;
	v0 =	vld.msk [tilespmem:s17+$0x0 ss:$0x1], $0xffff  }
0x3a: {  	_ =	sdelay $0x3  }
0x3b: {  	v1 =	vshll.u32 v0, $0x3  }
0x3c: {  	vm2 =	veq.s32 v0, $0x80000000;
	v63 =	vshll.u32 v0, $0x13;
	v1 =	vand.u32 $0x7FF80, v1  }
0x3d: {  	v0 =	vand.u32 $0x780000, v63;
	v1 =	vsel vm2, $0xFFFFFF80, v1  }
0x3e: {  	v0 =	vsel vm2, $0xFFF80000, v0;
	v2 =	vand.u32 $0xFFFFFC00, v1  }
0x3f: {  	v1 =	vand.u32 $0x380, v1;
	v0 =	vadd.s32 v0, v2  }
0x40: {  	v0 =	vor.u32 v1, v0  }
0x41: {  	v0 =	vshrl.u32 v0, $0x3;
	_ =	sdelay $0x3  }
0x42: {  	s14 =	sadd.s32 $0x800, s15  }
0x43: {  	[tilespmem:s14], [sflag:$0x1] =	stream.indirect_vreg.gather [hbm:s2], $0x80, v0, vm0, $0x38;
	[tilespmem:$0x10200] =	vst v63  }
0x44: {  	s14 =	sadd.s32 $0x400, s14  }
0x45: {  	[tilespmem:s14], [sflag:$0x1] =	stream.indirect_vreg.gather [hbm:s2], $0x80, v0, vm1, $0x38;
	[tilespmem:$0x10200] =	vst v63  }
0x46: {  	s11 =	sshll.u32 s11, $0x4;
	_ =	swait.ge [sflag:s4], $0x8000  }
0x47: {  	s11 =	sadd.s32 s11, s7;
	[sflag:s4] =	ssyncset.done $0x0  }
0x48: {  	s15 =	sadd.s32 $0x0, s11;
	s14 =	simm.s32 $0x80;
	[sflag:s4] =	ssyncadd.s32 $0xFFFF8000  }
.LBB2_5:
0x49: {  	[hbm:s15] =	stream.linear.scatter [tilespmem:s12], [sflag:$0x3], $0x400, $0x38;
	[tilespmem:$0x10200] =	vst v63  }
0x4a: {  	s15 =	smov.u32 s14;
	s12 =	smov.u32 s13;
	p1 =	sne.s32 s14, $0xF80  }
.Ltmp4:
0x4b: {  	s14 =	sadd.s32 $0x80, s14;
	(pc) =	sbr.rel @p1 .LBB2_5-.Ltmp4, $2  }
0x4c: {  	_ =	sdelay $0x2  }
0x4d: {  	s13 =	sadd.s32 $0x400, s13;
	s15 =	sadd.s32 s15, s11  }
.Ltmp5:
0x4e: {  	(pc) =	sbr.rel .LBB2_7-.Ltmp5, $2  }
0x4f: {  	_ =	sdelay $0x2  }
0x50: {  	[hbm:s15] =	stream.linear.scatter [tilespmem:s12], [sflag:$0x3], $0x400, $0x38;
	[tilespmem:$0x10200] =	vst v63  }
.LBB2_8:
0x51: {  	_ =	sfence.sel $0x180000  }
0x52: {  	s2 =	simm.s32 $0x2;
	[bflag:$0x0] =	sbarrier.arrive $0xFFFF  }
0x53: {  	s30 =	simm.s32 $0x3;
	[sflag:s2] =	ssyncpa.u1 $0x1  }
0x54: {  	s31 =	simm.s32 $0x1;
	[sflag:s30] =	ssyncpa.u1 $0x1  }
0x55: {  	[sflag:s31] =	ssyncpa.u1 $0x1  }
0x56: {  	p0 =	sne.s32 s1, $0x0;
	_ =	strace $0x90000047  }
0x57: {  	s0 =	sadd.s32 @!p0 $0x100000, s0;
	[bflag:$0x2] =	sbarrier.arrive $0xFFFF  }
0x58: {  	[sflag:s0] =	ssyncadd.tile.s32 @!p0 $0x1;
	_ =	shalt  }
.Lfunc_end2:
_tile_overlayer_lowered:
.L_overlay_start_2:
0x59: {  	(tag) =	ssettag $0x2  }
0x5a: {  	s0 =	rddreg [dreg:$0x0];
	s2 =	stileid.u32  }
0x5b: {  	s1 =	rddreg [dreg:$0x1];
	p0 =	sne.s32 s2, $0x0  }
0x5c: {  	s3 =	rddreg [dreg:$0x2];
	[bflag:$0x3] =	sbarrier.arrive $0xFFFF;
	s2 =	simm.s32 @!p0 $0x1C01  }
0x5d: {  	[timem:s3], [sflag:s2] =	dma.local @!p0 [hbm:s0], s1  }
0x5e: {  	s0 =	simm.s32 @!p0 $0x1  }
0x5f: {  	_ =	swait.ge @!p0 [sflag:s0], s1  }
0x60: {  	s1 =	ssub.s32 @!p0 $0x0, s1;
	[sflag:s0] =	ssyncset.done @!p0 $0x0  }
0x61: {  	[sflag:s0] =	ssyncadd.s32 @!p0 s1  }
0x62: {  	[bflag:$0x3] =	sbarrier.arrive $0xFFFF  }
0x63: {  	_ =	shalt  }

// kernel: sparse-core-data-format-call.1.cloned.1.call-start
scs
called_computation.1_lowered:
.L_overlay_start_0:
0x0: {  	s2 =	sld [smem:$0x3FD9]  }
0x1: {  	s3 =	sld [smem:$0x3FFE];
	_ =	sdelay $0x1  }
0x2: {  	s1 =	srdreg.scid  }
0x3: {  	s0 =	sand.u32 $0x1, s1  }
0x4: {  	s18 =	sshll.u32 s0, $0xA;
	s2 =	sadd.s32 s3, s2  }
0x5: {  	s2 =	sadd.s32 s2, s18  }
0x6: {  	[smem:$0x3FA9] =	sst s2  }
0x7: {  	_ = 	snop  }
0x8: {  	(tm) =	ssettm $0x1  }
0x9: {  	s19 =	sld [smem:$0x3FFB];
	_ =	sdelay $0x3  }
0xa: {  	_ =	strace s19  }
0xb: {  	s2 =	sld [smem:$0x3FFC];
	_ =	sdelay $0x3  }
0xc: {  	_ =	strace s2  }
0xd: {  	s2 =	sld [smem:$0x3FFD];
	_ =	sdelay $0x3  }
0xe: {  	_ =	strace s2  }
0xf: {  	_ =	strace $0x8FFFFFFF  }
0x10: {  	s20 =	sld [smem:$0x3FDB];
	_ =	sdelay $0x1  }
0x11: {  	s21 =	simm.s32 $_scs_section_size  }
0x12: {  	s4 =	simm.s32 $_size__tile_overlayer_lowered;
	s5 =	simm.s32 $_tile_overlayer_lowered  }
0x13: {  	s6 =	simm.s32 $0x1BFF;
	s22 =	sshll.u32 s5, $0x1;
	s3 =	sadd.s32 s21, s20  }
0x14: {  	s23 =	simm.s32 $0x0;
	s4 =	sshll.u32 s4, $0x1;
	s5 =	sadd.s32 s22, s3  }
0x15: {  	[timem:s23], [sflag:s6] =	dma.local [hbm:s5], s4  }
0x16: {  	_ =	swait.ge [sflag:s6], s4  }
0x17: {  	s4 =	ssub.s32 $0x0, s4;
	[sflag:s6] =	ssyncset.done $0x0  }
0x18: {  	[sflag:s6] =	ssyncadd.s32 s4;
	_ =	sdelay $0x1  }
0x19: {  	s24 =	simm.s32 $0x1B8B  }
0x1a: {  	_ =	swait.ge [sflag:s24], $0x1  }
0x1b: {  	[sflag:s24] =	ssyncset.done $0x0  }
0x1c: {  	[sflag:s24] =	ssyncadd.s32 $0xFFFFFFFF  }
0x1d: {  	s4 =	sld [smem:$0x0]  }
0x1e: {  	s5 =	sand.u32 $0xFFFFFFFE, s1  }
0x1f: {  	p0 =	sne.s32 s1, s5  }
0x20: {  	s5 =	sshll.u32 @p0 s5, $0xE  }
0x21: {  	s5 =	sadd.s32 @p0 $0x11B8D, s5;
	s6 =	sshll.u32 @p0 s4, $0x11  }
0x22: {  	s5 =	sor.u32 @p0 s6, s5  }
0x23: {  	[sflag:s5] =	ssyncadd.remote.s32 @p0 $0x1;
	_ =	sdelay $0x1  }
0x24: {  	s5 =	simm.s32 @p0 $0x1B8D  }
0x25: {  	_ =	swait.eq @p0 [sflag:s5], $0x1  }
0x26: {  	[sflag:s5] =	ssyncadd.s32 @p0 $0xFFFFFFFF  }
0x27: {  	s6 =	sshll.u32 @!p0 s1, $0xE  }
0x28: {  	s6 =	sor.u32 @!p0 $0x4000, s6;
	s5 =	simm.s32 @!p0 $0x1B8D  }
0x29: {  	s4 =	sshll.u32 @!p0 s4, $0x11;
	s6 =	sadd.s32 @!p0 $0x11B8D, s6;
	_ =	swait.eq @!p0 [sflag:s5], $0x1  }
0x2a: {  	s4 =	sor.u32 @!p0 s4, s6;
	[sflag:s5] =	ssyncadd.s32 @!p0 $0xFFFFFFFF  }
0x2b: {  	s26 =	simm.s32 $0x1B8E;
	s25 =	sld [smem:$0x3FFE];
	[sflag:s4] =	ssyncadd.remote.s32 @!p0 $0x1  }
0x2c: {  	s27 =	simm.s32 $execute0_lowered;
	[smem:$0x3FD2] =	sst s26  }
0x2d: {  	s5 =	sshll.u32 s27, $0x1;
	_ =	strace $0x80000055;
	[dreg:$0x1] =	wrdreg $0xFFFFFFFF  }
0x2e: {  	s28 =	simm.s32 $_size_execute0_lowered;
	s3 =	sadd.s32 s3, s5;
	[dreg:$0x0] =	wrdreg $0x0  }
0x2f: {  	s5 =	sshll.u32 s28, $0x1;
	[dreg:$0x2] =	wrdreg s3  }
0x30: {  	[dreg:$0x3] =	wrdreg s5  }
0x31: {  	[dreg:$0x4] =	wrdreg $0xC0  }
0x32: {  	_ =	task [dreg:s23], $0x5FFFF  }
0x33: {  	[dreg:$0x1] =	wrdreg $0xFFFFFFFF  }
0x34: {  	[dreg:$0x0] =	wrdreg $0x60  }
0x35: {  	[dreg:$0x2] =	wrdreg s25  }
0x36: {  	[dreg:$0x3] =	wrdreg $0x9  }
0x37: {  	_ =	task.clear_ibuf [dreg:s23], $0x4FFFF;
	_ =	strace $0x90000055  }
0x38: {  	s29 =	simm.s32 $0x9;
	_ =	strace $0x80000057  }
0x39: {  	_ =	swait.ge [sflag:s29], $0x1  }
0x3a: {  	[sflag:s29] =	ssyncadd.s32 $0xFFFFFFFF  }
0x3b: {  	_ =	strace $0x90000057  }
0x3c: {  	_ =	sfence  }
0x3d: {  	s30 =	sld [smem:$0x0];
	_ =	sdelay $0x2  }
0x3e: {  	s31 =	sshll.u32 s1, $0xD;
	s1 =	sshrl.u32 s1, $0x2  }
0x3f: {  	s4 =	sand.u32 $0x4000, s31;
	s1 =	sadd.s32 s1, s30  }
0x40: {  	s0 =	sor.u32 s4, s0;
	s1 =	sshll.u32 s1, $0x11  }
0x41: {  	s0 =	sor.u32 s1, s0  }
0x42: {  	s0 =	sadd.s32 $0x8F2B, s0  }
0x43: {  	[sflag:s0] =	ssyncadd.remote.s32 $0x1  }
0x44: {  	_ =	sfence.sel $0xFFFF  }
0x45: {  	[dreg:$0x0] =	wrdreg $0xFFFFFFFF;
	(pc) =	sbr.abs _section_cstart, $3  }
0x46: {  	[dreg:$0x1] =	wrdreg $0xFFFFFFFF  }
0x47: {  	_ =	task.clear_ibuf [dreg:s23], $0x2FFFF;
	_ =	strace $0x9FFFFFFF  }
0x48: {  	(tm) =	ssettm $0x7FFFFFFF  }
0x49: {  	_ =	shalt  }
tec
execute0_lowered:
.L_overlay_start_1:
0x0: {  	(tag) =	ssettag $0x1  }
0x1: {  	s0 =	srdreg.scid;
	s3 =	rddreg [dreg:$0x0];
	s5 =	simm.s32 $0x1  }
0x2: {  	s7 =	simm.s32 $0x2;
	s14 =	simm.s32 $0x0;
	p0 =	por $0x0, $0x0  }
0x3: {  	s8 =	simm.s32 $0x800;
	s13 =	simm.s32 $0x0;
	s1 =	sshll.u32 s0, $0x7  }
0x4: {  	s15 =	simm.s32 $0x0;
	s9 =	simm.s32 $0x0;
	s1 =	sand.u32 $0x80, s1  }
0x5: {  	s0 =	rddreg [dreg:$0x1];
	_ =	strace $0x80000056;
	s6 =	ssub.s32 $0x200, s1  }
.Ltmp0:
0x6: {  	s2 =	sadd.s32 $0x261000, s3;
	s31 =	sshrl.u32 s6, $0x7;
	(pc) =	sbr.rel .LBB1_1-.Ltmp0, $4  }
0x7: {  	s4 =	sadd.s32 $0x661000, s3;
	s6 =	sshrl.u32 s6, $0x8;
	s3 =	sand.u32 $0x1, s31  }
0x8: {  	s11 =	stileid.u32;
	[sflag:s5] =	ssyncpa.u1 $0x0;
	s6 =	sadd.s32 s6, s3  }
0x9: {  	s12 =	simm.s32 $0x0;
	[sflag:s7] =	ssyncpa.u1 $0x0;
	s6 =	sshll.u32 s6, $0x5  }
0xa: {  	s10 =	smov.u32 s1;
	s3 =	stileid.u32;
	s7 =	sor.u32 $0x1, s6  }
.LBB1_4:
0xb: {  	v11 =	vld [tilespmem:s19+$0xFFFFFFE0];
	v12 =	vcombine.low v6, v7  }
0xc: {  	v3 =	vperm.xlane.i2c.b16 v3;
	[tilespmem:s21+$0x3870 ss:$0x81] =	vst.msk $0xffff, v9;
	v45 =	vld [tilespmem:s19+$0xFFFFFFF0];
	v4 =	vperm.xlane.i2c.b16 v4  }
0xd: {  	v46 =	vcombine.high v6, v7;
	[tilespmem:s18+$0x2040 ss:$0x81] =	vst.msk $0xffff, v10;
	v47 =	vld [tilespmem:s19+$0x0];
	v5 =	vperm.xlane.i2c.b16 v5  }
0xe: {  	v49 =	vld [tilespmem:s19+$0x10];
	v1 =	vperm.xlane.i2c.b16 v1;
	[tilespmem:s21+$0x810 ss:$0x81] =	vst.msk $0xffff, v12;
	v48 =	vcombine.low v8, v3  }
0xf: {  	v51 =	vld [tilespmem:s19+$0xFFFFFFC0];
	v58 =	vperm.xlane.i2c.b16 v2;
	v50 =	vcombine.low v4, v0;
	[tilespmem:s21+$0x2850 ss:$0x81] =	vst.msk $0xffff, v46  }
0x10: {  	s27 =	sshra.s32 s20, $0x2;
	v3 =	vcombine.high v8, v3;
	v52 =	vcombine.low v1, v5;
	[tilespmem:s21+$0x1020 ss:$0x81] =	vst.msk $0xffff, v48  }
0x11: {  	s16 =	sadd.s32 s27, s16;
	v1 =	vcombine.high v1, v5;
	v55 =	vcombine.high v4, v0;
	[tilespmem:s21+$0x0 ss:$0x81] =	vst.msk $0xffff, v50  }
0x12: {  	[tilespmem:s16+$0x1830 ss:$0x81] =	vst.msk $0xffff, v52;
	v11 =	vperm.xlane.i2c.b16 v11;
	v53 =	vperm.xlane.i2c.b16 v45  }
0x13: {  	[tilespmem:s21+$0x3060 ss:$0x81] =	vst.msk $0xffff, v3;
	v54 =	vperm.xlane.i2c.b16 v47;
	v57 =	vperm.xlane.i2c.b16 v49  }
0x14: {  	[tilespmem:s16+$0x3870 ss:$0x81] =	vst.msk $0xffff, v1;
	v60 =	vperm.xlane.i2c.b16 v51;
	v56 =	vcombine.low v11, v53  }
0x15: {  	[tilespmem:s21+$0x2040 ss:$0x81] =	vst.msk $0xffff, v55;
	v61 =	vcombine.low v54, v57  }
0x16: {  	v63 =	vcombine.low v60, v58;
	[tilespmem:s16+$0x810 ss:$0x81] =	vst.msk $0xffff, v56  }
0x17: {  	s15 =	sshll.u32 s15, $0x12;
	s28 =	sshrl.u32 s13, $0x1;
	v59 =	vcombine.high v11, v53;
	[tilespmem:s16+$0x1020 ss:$0x81] =	vst.msk $0xffff, v61  }
0x18: {  	s14 =	sshll.u32 s14, $0xC;
	s29 =	sshrl.u32 s13, $0x3;
	s15 =	sadd.s32 s4, s15;
	v62 =	vcombine.high v54, v57;
	[tilespmem:s16+$0x0 ss:$0x81] =	vst.msk $0xffff, v63  }
0x19: {  	s30 =	sand.u32 $0x7, s13;
	s18 =	sand.u32 $0xFC0, s28;
	s14 =	sadd.s32 s14, s15;
	v0 =	vcombine.high v60, v58;
	[tilespmem:s16+$0x2850 ss:$0x81] =	vst.msk $0xffff, v59  }
0x1a: {  	s31 =	sand.u32 $0xF, s29;
	s13 =	sshll.u32 s30, $0x12;
	s14 =	sadd.s32 s18, s14;
	[tilespmem:s16+$0x3060 ss:$0x81] =	vst.msk $0xffff, v62  }
0x1b: {  	s13 =	sor.u32 $0x200, s13;
	s14 =	sadd.s32 s31, s14;
	[tilespmem:s16+$0x2040 ss:$0x81] =	vst.msk $0xffff, v0  }
0x1c: {  	[hbm4b:s14+s13] =	stream.strided.scatter [tilespmem:s17], [sflag:$0x2], $0x4000, s8, s13, $0x20;
	[tilespmem:$0x10100] =	vst v63  }
.LBB1_5:
0x1d: {  	s16 =	sadd.s32 $0x2, s9  }
0x1e: {  	s13 =	sadd.s32 $0x100, s10;
	s17 =	smov.u32 s10;
	p2 =	sgt.s32 s16, $0x3F  }
0x1f: {  	s17 =	smov.u32 @p2 s13  }
0x20: {  	s19 =	smov.u32 s11;
	s13 =	sadd.s32 $0x10, s11;
	p3 =	sgt.s32 s17, $0x1FF  }
0x21: {  	s19 =	smov.u32 @p3 s13  }
0x22: {  	s16 =	simm.s32 @p2 $0x0;
	p2 =	sgt.s32 s19, $0xF  }
0x23: {  	p1 =	slt.u32 s12, $0x2;
	s19 =	smov.u32 @p2 s3;
	p2 =	sne.s32 s12, s7  }
.Ltmp1:
0x24: {  	s18 =	simm.s32 @!p1 $0x2;
	(pc) =	sbr.rel @!p2 .LBB1_6-.Ltmp1, $4  }
0x25: {  	s14 =	smov.u32 s9;
	s15 =	smov.u32 s11;
	_ =	swait.ge @!p1 [sflag:s18], $0x4000  }
0x26: {  	p0 =	por !p0, !p0;
	[sflag:s18] =	ssyncset.done @!p1 $0x0;
	s9 =	smov.u32 s16  }
0x27: {  	s17 =	smov.u32 @p3 s1;
	s13 =	smov.u32 s10;
	[sflag:s18] =	ssyncadd.s32 @!p1 $0xFFFFC000  }
0x28: {  	s10 =	smov.u32 s17;
	s12 =	sadd.s32 $0x1, s12;
	s11 =	smov.u32 s19  }
.LBB1_1:
0x29: {  	p1 =	sge.u32 s12, s6;
	s31 =	sadd.s32 $0xFFFFFFFF, s12  }
0x2a: {  	s16 =	sshll.u32 @!p1 s11, $0x12;
	s17 =	sshll.u32 @!p1 s10, $0x9;
	s18 =	sshll.u32 @!p1 s9, $0x3  }
0x2b: {  	s19 =	sxor.u32 @!p1 $0xFFFFFFFF, s12;
	s16 =	sadd.s32 @!p1 s2, s16;
	s18 =	sand.u32 @!p1 $0x1F0, s18  }
0x2c: {  	s16 =	sadd.s32 @!p1 s17, s16;
	s17 =	sshll.u32 @!p1 s19, $0xE;
	s19 =	simm.s32 @!p1 $0x1000  }
0x2d: {  	s16 =	sadd.s32 @!p1 s18, s16;
	s17 =	sand.u32 @!p1 $0x4000, s17;
	s18 =	simm.s32 @!p1 $0x80  }
0x2e: {  	[tilespmem:s17], [sflag:$0x1] =	stream.strided.gather @!p1 [hbm4b:s16+s18], $0x4000, s19, s18, $0x38;
	[tilespmem:$0x10100] =	vst v63  }
0x2f: {  	p1 =	sge.u32 s31, s6  }
.Ltmp2:
0x30: {  	_ = 	snop;
	(pc) =	sbr.rel @p1 .LBB1_5-.Ltmp2, $1  }
0x31: {  	_ =	sdelay $0x3  }
0x32: {  	s16 =	simm.s32 $0x1  }
0x33: {  	_ =	swait.ge [sflag:s5], $0x4000;
	s16 =	simm.s32 @!p0 $0x0  }
0x34: {  	[sflag:s5] =	ssyncset.done $0x0;
	s17 =	sshll.u32 s16, $0xE  }
0x35: {  	[sflag:s5] =	ssyncadd.s32 $0xFFFFC000;
	s17 =	sor.u32 $0x40, s17  }
0x36: {  	v0 =	vld [tilespmem:s17+$0x20]  }
0x37: {  	v1 =	vld [tilespmem:s17+$0x30]  }
0x38: {  	v2 =	vld [tilespmem:s17+$0xFFFFFFD0]  }
0x39: {  	v3 =	vld [tilespmem:s17+$0xFFFFFFE0]  }
0x3a: {  	v4 =	vld [tilespmem:s17+$0xFFFFFFF0]  }
0x3b: {  	v5 =	vld [tilespmem:s17+$0x0]  }
0x3c: {  	v6 =	vld [tilespmem:s17+$0x10]  }
0x3d: {  	v7 =	vld [tilespmem:s17+$0xFFFFFFC0]  }
0x3e: {  	s16 =	smul.u32 $0x10200, s16;
	v1 =	vperm.xlane.i2c.b16 v1;
	v0 =	vperm.xlane.i2c.b16 v0  }
0x3f: {  	s17 =	sadd.s32 $0x80, s17;
	v10 =	vperm.xlane.i2c.b16 v2;
	v3 =	vperm.xlane.i2c.b16 v3  }
0x40: {  	s16 =	sshrl.u32 s16, $0x2;
	v9 =	vld [tilespmem:s17+$0x30];
	v4 =	vperm.xlane.i2c.b16 v4;
	v5 =	vperm.xlane.i2c.b16 v5  }
0x41: {  	s16 =	sor.u32 $0x8000, s16;
	v2 =	vld [tilespmem:s17+$0x20];
	v6 =	vperm.xlane.i2c.b16 v6;
	v8 =	vcombine.low v0, v1  }
0x42: {  	v12 =	vld [tilespmem:s17+$0xFFFFFFF0];
	s18 =	sadd.s32 $0x0, s16;
	v13 =	vperm.xlane.i2c.b16 v7;
	v11 =	vcombine.low v3, v4  }
0x43: {  	v0 =	vcombine.high v0, v1;
	v1 =	vld [tilespmem:s17+$0xFFFFFFD0];
	v7 =	vcombine.low v5, v6;
	[tilespmem:s18+$0x1830 ss:$0x81] =	vst.msk $0xffff, v8  }
0x44: {  	v8 =	vld [tilespmem:s17+$0xFFFFFFE0];
	[tilespmem:s18+$0x810 ss:$0x81] =	vst.msk $0xffff, v11  }
0x45: {  	v14 =	vld [tilespmem:s17+$0x0];
	v9 =	vperm.xlane.i2c.b16 v9;
	v5 =	vcombine.high v5, v6;
	[tilespmem:s18+$0x1020 ss:$0x81] =	vst.msk $0xffff, v7  }
0x46: {  	s19 =	sand.u32 $0x1, s12;
	[tilespmem:s18+$0x3870 ss:$0x81] =	vst.msk $0xffff, v0;
	v0 =	vcombine.high v3, v4;
	v3 =	vld [tilespmem:s17+$0x10];
	v2 =	vperm.xlane.i2c.b16 v2  }
0x47: {  	s20 =	smul.u32 $0x10200, s19;
	s19 =	sadd.s32 $0x80, s17;
	v11 =	vcombine.low v13, v10;
	v7 =	vperm.xlane.i2c.b16 v12;
	v4 =	vld [tilespmem:s17+$0xFFFFFFC0];
	[tilespmem:s18+$0x3060 ss:$0x81] =	vst.msk $0xffff, v5  }
0x48: {  	v5 =	vld [tilespmem:s19+$0x30];
	[tilespmem:s18+$0x2850 ss:$0x81] =	vst.msk $0xffff, v0;
	v0 =	vperm.xlane.i2c.b16 v1;
	v15 =	vcombine.low v2, v9  }
0x49: {  	s31 =	sshrl.u32 s20, $0x2;
	s21 =	sadd.s32 $0x1, s16;
	[tilespmem:s18+$0x0 ss:$0x81] =	vst.msk $0xffff, v11;
	v1 =	vld [tilespmem:s19+$0x20];
	v9 =	vcombine.high v2, v9;
	v6 =	vperm.xlane.i2c.b16 v8  }
0x4a: {  	s22 =	simm.s32 $0xC;
	s20 =	simm.s32 $0x8;
	v10 =	vcombine.high v13, v10;
	s17 =	sor.u32 $0x8000, s31;
	v2 =	vld [tilespmem:s19+$0xFFFFFFD0];
	v8 =	vperm.xlane.i2c.b16 v14;
	[tilespmem:s21+$0x1830 ss:$0x81] =	vst.msk $0xffff, v15  }
.LBB1_3:
0x4b: {  	p1 =	sne.s32 s22, $0x1FC;
	v11 =	vld [tilespmem:s19+$0xFFFFFFE0];
	v12 =	vcombine.low v6, v7;
	v3 =	vperm.xlane.i2c.b16 v3;
	[tilespmem:s21+$0x3870 ss:$0x81] =	vst.msk $0xffff, v9  }
0x4c: {  	v13 =	vperm.xlane.i2c.b16 v4;
	v4 =	vcombine.high v6, v7;
	v9 =	vld [tilespmem:s19+$0xFFFFFFF0];
	[tilespmem:s18+$0x2040 ss:$0x81] =	vst.msk $0xffff, v10;
	s18 =	smov.u32 s21  }
0x4d: {  	v10 =	vld [tilespmem:s19+$0x0];
	[tilespmem:s18+$0x810 ss:$0x81] =	vst.msk $0xffff, v12;
	v6 =	vcombine.low v8, v3;
	v7 =	vcombine.high v8, v3  }
.Ltmp3:
0x4e: {  	v8 =	vperm.xlane.i2c.b16 v5;
	v12 =	vperm.xlane.i2c.b16 v1;
	v3 =	vld [tilespmem:s19+$0x10];
	[tilespmem:s18+$0x2850 ss:$0x81] =	vst.msk $0xffff, v4;
	(pc) =	sbr.rel @p1 .LBB1_3-.Ltmp3, $4  }
0x4f: {  	v14 =	vperm.xlane.i2c.b16 v2;
	v2 =	vcombine.low v13, v0;
	v4 =	vld [tilespmem:s19+$0xFFFFFFC0];
	s19 =	sadd.s32 $0x80, s19;
	[tilespmem:s18+$0x1020 ss:$0x81] =	vst.msk $0xffff, v6  }
0x50: {  	s21 =	sshra.s32 s20, $0x2;
	s20 =	smov.u32 s22;
	v1 =	vld [tilespmem:s19+$0x20];
	v6 =	vperm.xlane.i2c.b16 v11;
	v11 =	vcombine.low v12, v8;
	[tilespmem:s18+$0x3060 ss:$0x81] =	vst.msk $0xffff, v7  }
0x51: {  	s21 =	sadd.s32 s21, s16;
	v5 =	vld [tilespmem:s19+$0x30];
	v7 =	vperm.xlane.i2c.b16 v9;
	v9 =	vcombine.high v12, v8;
	[tilespmem:s18+$0x0 ss:$0x81] =	vst.msk $0xffff, v2  }
0x52: {  	s22 =	sadd.s32 $0x4, s22;
	v2 =	vld [tilespmem:s19+$0xFFFFFFD0];
	v8 =	vperm.xlane.i2c.b16 v10;
	[tilespmem:s21+$0x1830 ss:$0x81] =	vst.msk $0xffff, v11;
	v10 =	vcombine.high v13, v0;
	v0 =	vmov v14  }
.Ltmp4:
0x53: {  	_ = 	snop;
	(pc) =	sbr.rel .LBB1_4-.Ltmp4, $1  }
0x54: {  	_ =	sdelay $0x3  }
.LBB1_6:
0x55: {  	_ =	sfence.sel $0x180000  }
0x56: {  	s1 =	simm.s32 $0x1;
	[bflag:$0x0] =	sbarrier.arrive $0xFFFF  }
0x57: {  	s31 =	simm.s32 $0x2;
	[sflag:s1] =	ssyncpa.u1 $0x1  }
0x58: {  	[sflag:s31] =	ssyncpa.u1 $0x1  }
0x59: {  	p0 =	sne.s32 s3, $0x0;
	_ =	strace $0x90000056  }
0x5a: {  	s0 =	sadd.s32 @!p0 $0x100000, s0;
	[bflag:$0x2] =	sbarrier.arrive $0xFFFF  }
0x5b: {  	[sflag:s0] =	ssyncadd.tile.s32 @!p0 $0x1;
	_ =	shalt  }
.Lfunc_end1:
_tile_overlayer_lowered:
.L_overlay_start_2:
0x5c: {  	(tag) =	ssettag $0x2  }
0x5d: {  	s0 =	rddreg [dreg:$0x0];
	s2 =	stileid.u32  }
0x5e: {  	s1 =	rddreg [dreg:$0x1];
	p0 =	sne.s32 s2, $0x0  }
0x5f: {  	s3 =	rddreg [dreg:$0x2];
	[bflag:$0x3] =	sbarrier.arrive $0xFFFF;
	s2 =	simm.s32 @!p0 $0x1C01  }
0x60: {  	[timem:s3], [sflag:s2] =	dma.local @!p0 [hbm:s0], s1  }
0x61: {  	s0 =	simm.s32 @!p0 $0x1  }
0x62: {  	_ =	swait.ge @!p0 [sflag:s0], s1  }
0x63: {  	s1 =	ssub.s32 @!p0 $0x0, s1;
	[sflag:s0] =	ssyncset.done @!p0 $0x0  }
0x64: {  	[sflag:s0] =	ssyncadd.s32 @!p0 s1  }
0x65: {  	[bflag:$0x3] =	sbarrier.arrive $0xFFFF  }
0x66: {  	_ =	shalt  }

// kernel: sparse-core-data-format-call.2.cloned.1.call-start
scs
called_computation.2_lowered:
.L_overlay_start_0:
0x0: {  	s1 =	sld [smem:$0x3FD9]  }
0x1: {  	s2 =	sld [smem:$0x3FFE];
	_ =	sdelay $0x1  }
0x2: {  	s3 =	srdreg.scid  }
0x3: {  	s0 =	sand.u32 $0x1, s3  }
0x4: {  	s17 =	sshll.u32 s0, $0xA;
	s1 =	sadd.s32 s2, s1  }
0x5: {  	s1 =	sadd.s32 s1, s17  }
0x6: {  	[smem:$0x3FA9] =	sst s1  }
0x7: {  	_ = 	snop  }
0x8: {  	(tm) =	ssettm $0x1  }
0x9: {  	s18 =	sld [smem:$0x3FFB];
	_ =	sdelay $0x3  }
0xa: {  	_ =	strace s18  }
0xb: {  	s1 =	sld [smem:$0x3FFC];
	_ =	sdelay $0x3  }
0xc: {  	_ =	strace s1  }
0xd: {  	s1 =	sld [smem:$0x3FFD];
	_ =	sdelay $0x3  }
0xe: {  	_ =	strace s1  }
0xf: {  	_ =	strace $0x8FFFFFFF  }
0x10: {  	s19 =	sld [smem:$0x3FDB];
	_ =	sdelay $0x1  }
0x11: {  	s20 =	simm.s32 $_scs_section_size  }
0x12: {  	s4 =	simm.s32 $_size__tile_overlayer_lowered;
	s5 =	simm.s32 $_tile_overlayer_lowered  }
0x13: {  	s23 =	simm.s32 $0x1BFF;
	s22 =	sshll.u32 s5, $0x1;
	s1 =	sadd.s32 s20, s19  }
0x14: {  	s6 =	simm.s32 $0x0;
	s21 =	sshll.u32 s4, $0x1;
	s4 =	sadd.s32 s22, s1  }
0x15: {  	[timem:s6], [sflag:s23] =	dma.local [hbm:s4], s21  }
0x16: {  	_ =	swait.ge [sflag:s23], s21  }
0x17: {  	s2 =	ssub.s32 $0x0, s21;
	[sflag:s23] =	ssyncset.done $0x0  }
0x18: {  	[sflag:s23] =	ssyncadd.s32 s2;
	_ =	sdelay $0x1  }
0x19: {  	s24 =	simm.s32 $0x1B8B  }
0x1a: {  	_ =	swait.ge [sflag:s24], $0x1  }
0x1b: {  	[sflag:s24] =	ssyncset.done $0x0  }
0x1c: {  	s26 =	simm.s32 $0x1B8E;
	s25 =	sld [smem:$0x3FFE];
	[sflag:s24] =	ssyncadd.s32 $0xFFFFFFFF  }
0x1d: {  	s27 =	simm.s32 $execute0_lowered;
	[smem:$0x3FD2] =	sst s26  }
0x1e: {  	s4 =	sshll.u32 s27, $0x1;
	_ =	strace $0x8000004C;
	[dreg:$0x1] =	wrdreg $0xFFFFFFFF  }
0x1f: {  	s28 =	simm.s32 $_size_execute0_lowered;
	s1 =	sadd.s32 s1, s4;
	[dreg:$0x0] =	wrdreg $0x0  }
0x20: {  	s4 =	sshll.u32 s28, $0x1;
	[dreg:$0x2] =	wrdreg s1  }
0x21: {  	[dreg:$0x3] =	wrdreg s4  }
0x22: {  	[dreg:$0x4] =	wrdreg $0xC0  }
0x23: {  	_ =	task [dreg:s6], $0x5FFFF  }
0x24: {  	[dreg:$0x1] =	wrdreg $0xFFFFFFFF  }
0x25: {  	[dreg:$0x0] =	wrdreg $0x60  }
0x26: {  	[dreg:$0x2] =	wrdreg s25  }
0x27: {  	[dreg:$0x3] =	wrdreg $0x9  }
0x28: {  	_ =	task.clear_ibuf [dreg:s6], $0x4FFFF;
	_ =	strace $0x9000004C  }
0x29: {  	s29 =	simm.s32 $0x9;
	_ =	strace $0x8000004E  }
0x2a: {  	_ =	swait.ge [sflag:s29], $0x1  }
0x2b: {  	[sflag:s29] =	ssyncadd.s32 $0xFFFFFFFF  }
0x2c: {  	_ =	strace $0x9000004E  }
0x2d: {  	_ =	sfence  }
0x2e: {  	s30 =	sld [smem:$0x0];
	_ =	sdelay $0x2  }
0x2f: {  	s31 =	sshll.u32 s3, $0xD;
	s3 =	sshrl.u32 s3, $0x2  }
0x30: {  	s2 =	sand.u32 $0x4000, s31;
	s1 =	sadd.s32 s3, s30  }
0x31: {  	s0 =	sor.u32 s2, s0;
	s1 =	sshll.u32 s1, $0x11  }
0x32: {  	s0 =	sor.u32 s1, s0  }
0x33: {  	s0 =	sadd.s32 $0x8F2B, s0  }
0x34: {  	[sflag:s0] =	ssyncadd.remote.s32 $0x1  }
0x35: {  	_ =	sfence.sel $0xFFFF  }
0x36: {  	[dreg:$0x0] =	wrdreg $0xFFFFFFFF;
	(pc) =	sbr.abs _section_cstart, $3  }
0x37: {  	[dreg:$0x1] =	wrdreg $0xFFFFFFFF  }
0x38: {  	_ =	task.clear_ibuf [dreg:s6], $0x2FFFF;
	_ =	strace $0x9FFFFFFF  }
0x39: {  	(tm) =	ssettm $0x7FFFFFFF  }
tec
execute0_lowered:
.L_overlay_start_1:
0x0: {  	(tag) =	ssettag $0x1  }
0x1: {  	s0 =	srdreg.scid;
	s3 =	rddreg [dreg:$0x0];
	s5 =	simm.s32 $0x1  }
0x2: {  	s7 =	simm.s32 $0x2;
	s15 =	simm.s32 $0x0;
	p0 =	por $0x0, $0x0  }
0x3: {  	s8 =	simm.s32 $0x1000;
	s13 =	simm.s32 $0x0;
	s1 =	sshll.u32 s0, $0x7  }
0x4: {  	s14 =	simm.s32 $0x0;
	s9 =	simm.s32 $0x0;
	s1 =	sand.u32 $0x80, s1  }
0x5: {  	s0 =	rddreg [dreg:$0x1];
	_ =	strace $0x8000004D;
	s6 =	ssub.s32 $0x200, s1  }
.Ltmp0:
0x6: {  	s2 =	sadd.s32 $0x261000, s3;
	s31 =	sshrl.u32 s6, $0x7;
	(pc) =	sbr.rel .LBB1_1-.Ltmp0, $4  }
0x7: {  	s4 =	sadd.s32 $0x361000, s3;
	s6 =	sshrl.u32 s6, $0x8;
	s3 =	sand.u32 $0x1, s31  }
0x8: {  	s11 =	stileid.u32;
	[sflag:s5] =	ssyncpa.u1 $0x0;
	s6 =	sadd.s32 s6, s3  }
0x9: {  	s12 =	simm.s32 $0x0;
	[sflag:s7] =	ssyncpa.u1 $0x0;
	s6 =	sshll.u32 s6, $0x3  }
0xa: {  	s10 =	smov.u32 s1;
	s3 =	stileid.u32;
	s7 =	sor.u32 $0x1, s6  }
.LBB1_4:
0xb: {  	v5 =	vld [tilespmem:s18+$0xFFFFFFD0];
	[tilespmem:s19+$0x2040 ss:$0x81] =	vst.msk $0xffff, v1  }
0xc: {  	v58 =	vld [tilespmem:s18+$0xFFFFFFE0];
	[tilespmem:s19+$0x2850 ss:$0x81] =	vst.msk $0xffff, v2  }
0xd: {  	s20 =	sshra.s32 s20, $0x2;
	v59 =	vld [tilespmem:s18+$0xFFFFFFF0];
	[tilespmem:s19+$0x3060 ss:$0x81] =	vst.msk $0xffff, v3  }
0xe: {  	v60 =	vld [tilespmem:s18+$0x0];
	[tilespmem:s19+$0x0 ss:$0x81] =	vst.msk $0xffff, v0;
	s17 =	sadd.s32 s20, s17  }
0xf: {  	v61 =	vld [tilespmem:s18+$0x10];
	s25 =	sshll.u32 s15, $0x9;
	[tilespmem:s17+$0x3870 ss:$0x81] =	vst.msk $0xffff, v4  }
0x10: {  	s26 =	sshll.u32 s13, $0x3;
	v62 =	vld [tilespmem:s18+$0x20];
	s27 =	sshll.u32 s15, $0x7;
	s30 =	sand.u32 $0x78, s13;
	[tilespmem:s17+$0x810 ss:$0x81] =	vst.msk $0xffff, v5  }
0x11: {  	v63 =	vld [tilespmem:s18+$0xFFFFFFC0];
	s14 =	sshll.u32 s14, $0x10;
	s19 =	sand.u32 $0x7F000, s25;
	s20 =	sand.u32 $0x7FC00, s26;
	[tilespmem:s17+$0x1020 ss:$0x81] =	vst.msk $0xffff, v58  }
0x12: {  	s29 =	sand.u32 $0x200, s27;
	s15 =	sand.u32 $0x180, s27;
	s28 =	sadd.s32 s20, s19;
	[tilespmem:s17+$0x1830 ss:$0x81] =	vst.msk $0xffff, v59  }
0x13: {  	s31 =	sand.u32 $0x7, s13;
	s15 =	sor.u32 s30, s15;
	s18 =	sor.u32 s29, s28;
	[tilespmem:s17+$0x2040 ss:$0x81] =	vst.msk $0xffff, v60  }
0x14: {  	s14 =	sadd.s32 s4, s14;
	s15 =	sshrl.u32 s15, $0x3;
	s18 =	sshrl.u32 s18, $0x3;
	[tilespmem:s17+$0x2850 ss:$0x81] =	vst.msk $0xffff, v61  }
0x15: {  	s13 =	sshll.u32 s31, $0x12;
	s14 =	sadd.s32 s15, s14;
	[tilespmem:s17+$0x3060 ss:$0x81] =	vst.msk $0xffff, v62;
	s18 =	sand.u32 $0xFFC0, s18  }
0x16: {  	s13 =	sor.u32 $0x400, s13;
	[tilespmem:s17+$0x0 ss:$0x81] =	vst.msk $0xffff, v63;
	s14 =	sadd.s32 s18, s14  }
0x17: {  	[hbm4b:s14+s13] =	stream.strided.scatter [tilespmem:s16], [sflag:$0x2], $0x4000, s8, s13, $0x20;
	[tilespmem:$0x10100] =	vst v63  }
.LBB1_5:
0x18: {  	s16 =	sadd.s32 $0x80, s9  }
0x19: {  	s13 =	sadd.s32 $0x100, s10;
	s17 =	smov.u32 s10;
	p2 =	sgt.s32 s16, $0x3FF  }
0x1a: {  	s17 =	smov.u32 @p2 s13  }
0x1b: {  	s19 =	smov.u32 s11;
	s13 =	sadd.s32 $0x10, s11;
	p3 =	sgt.s32 s17, $0x1FF  }
0x1c: {  	s19 =	smov.u32 @p3 s13  }
0x1d: {  	s16 =	simm.s32 @p2 $0x0;
	p2 =	sgt.s32 s19, $0xF  }
0x1e: {  	p1 =	slt.u32 s12, $0x2;
	s19 =	smov.u32 @p2 s3;
	p2 =	sne.s32 s12, s7  }
.Ltmp1:
0x1f: {  	s18 =	simm.s32 @!p1 $0x2;
	(pc) =	sbr.rel @!p2 .LBB1_6-.Ltmp1, $4  }
0x20: {  	s15 =	smov.u32 s9;
	s14 =	smov.u32 s11;
	_ =	swait.ge @!p1 [sflag:s18], $0x4000  }
0x21: {  	p0 =	por !p0, !p0;
	[sflag:s18] =	ssyncset.done @!p1 $0x0;
	s9 =	smov.u32 s16  }
0x22: {  	s17 =	smov.u32 @p3 s1;
	s13 =	smov.u32 s10;
	[sflag:s18] =	ssyncadd.s32 @!p1 $0xFFFFC000  }
0x23: {  	s10 =	smov.u32 s17;
	s12 =	sadd.s32 $0x1, s12;
	s11 =	smov.u32 s19  }
.LBB1_1:
0x24: {  	p1 =	sge.u32 s12, s6  }
0x25: {  	s31 =	sadd.s32 $0xFFFFFFFF, s12;
	s16 =	sshll.u32 @!p1 s10, $0x7  }
0x26: {  	s17 =	sxor.u32 @!p1 $0xFFFFFFFF, s12;
	s18 =	sand.u32 @!p1 $0x78, s9;
	s19 =	sand.u32 @!p1 $0x380, s16  }
0x27: {  	s17 =	sshll.u32 @!p1 s17, $0xE;
	s18 =	sor.u32 @!p1 s18, s19;
	s19 =	sshll.u32 @!p1 s11, $0x10  }
0x28: {  	s16 =	sand.u32 @!p1 $0xFC00, s16;
	s18 =	sshrl.u32 @!p1 s18, $0x3;
	s19 =	sadd.s32 @!p1 s2, s19  }
0x29: {  	s16 =	sadd.s32 @!p1 s9, s16;
	s18 =	sadd.s32 @!p1 s18, s19;
	s19 =	sand.u32 @!p1 $0x7, s9  }
0x2a: {  	s17 =	sand.u32 @!p1 $0x4000, s17;
	s16 =	sand.u32 @!p1 $0xFF80, s16;
	s19 =	sshll.u32 @!p1 s19, $0x12  }
0x2b: {  	s16 =	sadd.s32 @!p1 s16, s18;
	s18 =	sor.u32 @!p1 $0x400, s19;
	s19 =	simm.s32 @!p1 $0x2000  }
0x2c: {  	[tilespmem:s17], [sflag:$0x1] =	stream.strided.gather @!p1 [hbm4b:s16+s18], $0x4000, s19, s18, $0x38;
	[tilespmem:$0x10100] =	vst v63  }
0x2d: {  	p1 =	sge.u32 s31, s6  }
.Ltmp2:
0x2e: {  	_ = 	snop;
	(pc) =	sbr.rel @p1 .LBB1_5-.Ltmp2, $1  }
0x2f: {  	_ =	sdelay $0x3  }
0x30: {  	s16 =	simm.s32 $0x1  }
0x31: {  	_ =	swait.ge [sflag:s5], $0x4000;
	s16 =	simm.s32 @!p0 $0x0  }
0x32: {  	[sflag:s5] =	ssyncset.done $0x0;
	s17 =	sshll.u32 s16, $0xE  }
0x33: {  	[sflag:s5] =	ssyncadd.s32 $0xFFFFC000;
	s18 =	sor.u32 $0x40, s17  }
0x34: {  	s16 =	smul.u32 $0x10200, s16;
	v0 =	vld [tilespmem:s18+$0x30]  }
0x35: {  	v3 =	vld [tilespmem:s18+$0xFFFFFFD0]  }
0x36: {  	s16 =	sshrl.u32 s16, $0x2;
	v4 =	vld [tilespmem:s18+$0xFFFFFFE0]  }
0x37: {  	v5 =	vld [tilespmem:s18+$0xFFFFFFF0];
	s17 =	sor.u32 $0x8000, s16  }
0x38: {  	s31 =	sand.u32 $0x1, s12;
	v1 =	vld [tilespmem:s18+$0x0];
	s19 =	sadd.s32 $0x0, s17  }
0x39: {  	v2 =	vld [tilespmem:s18+$0x10];
	s16 =	smul.u32 $0x10200, s31;
	[tilespmem:s19+$0x3870 ss:$0x81] =	vst.msk $0xffff, v0  }
0x3a: {  	[tilespmem:s19+$0x810 ss:$0x81] =	vst.msk $0xffff, v3;
	v3 =	vld [tilespmem:s18+$0x20]  }
0x3b: {  	s16 =	sshrl.u32 s16, $0x2;
	v0 =	vld [tilespmem:s18+$0xFFFFFFC0];
	[tilespmem:s19+$0x1020 ss:$0x81] =	vst.msk $0xffff, v4;
	s18 =	sadd.s32 $0x80, s18  }
0x3c: {  	s20 =	simm.s32 $0x4;
	s21 =	simm.s32 $0x8;
	s16 =	sor.u32 $0x8000, s16;
	[tilespmem:s19+$0x1830 ss:$0x81] =	vst.msk $0xffff, v5;
	v4 =	vld [tilespmem:s18+$0x30]  }
.LBB1_3:
0x3d: {  	p1 =	sne.s32 s21, $0x1FC;
	v5 =	vld [tilespmem:s18+$0xFFFFFFD0];
	[tilespmem:s19+$0x2040 ss:$0x81] =	vst.msk $0xffff, v1  }
0x3e: {  	v6 =	vld [tilespmem:s18+$0xFFFFFFE0];
	[tilespmem:s19+$0x2850 ss:$0x81] =	vst.msk $0xffff, v2  }
0x3f: {  	s22 =	sshra.s32 s20, $0x2;
	s20 =	smov.u32 s21;
	v7 =	vld [tilespmem:s18+$0xFFFFFFF0];
	[tilespmem:s19+$0x3060 ss:$0x81] =	vst.msk $0xffff, v3  }
.Ltmp3:
0x40: {  	v1 =	vld [tilespmem:s18+$0x0];
	[tilespmem:s19+$0x0 ss:$0x81] =	vst.msk $0xffff, v0;
	s19 =	sadd.s32 s22, s17;
	(pc) =	sbr.rel @p1 .LBB1_3-.Ltmp3, $4  }
0x41: {  	v2 =	vld [tilespmem:s18+$0x10];
	[tilespmem:s19+$0x3870 ss:$0x81] =	vst.msk $0xffff, v4  }
0x42: {  	[tilespmem:s19+$0x810 ss:$0x81] =	vst.msk $0xffff, v5;
	v3 =	vld [tilespmem:s18+$0x20]  }
0x43: {  	v0 =	vld [tilespmem:s18+$0xFFFFFFC0];
	[tilespmem:s19+$0x1020 ss:$0x81] =	vst.msk $0xffff, v6;
	s18 =	sadd.s32 $0x80, s18  }
0x44: {  	s21 =	sadd.s32 $0x4, s21;
	v4 =	vld [tilespmem:s18+$0x30];
	[tilespmem:s19+$0x1830 ss:$0x81] =	vst.msk $0xffff, v7  }
.Ltmp4:
0x45: {  	_ = 	snop;
	(pc) =	sbr.rel .LBB1_4-.Ltmp4, $1  }
0x46: {  	_ =	sdelay $0x3  }
.LBB1_6:
0x47: {  	_ =	sfence.sel $0x180000  }
0x48: {  	s1 =	simm.s32 $0x1;
	[bflag:$0x0] =	sbarrier.arrive $0xFFFF  }
0x49: {  	s31 =	simm.s32 $0x2;
	[sflag:s1] =	ssyncpa.u1 $0x1  }
0x4a: {  	[sflag:s31] =	ssyncpa.u1 $0x1  }
0x4b: {  	p0 =	sne.s32 s3, $0x0;
	_ =	strace $0x9000004D  }
0x4c: {  	s0 =	sadd.s32 @!p0 $0x100000, s0;
	[bflag:$0x2] =	sbarrier.arrive $0xFFFF  }
0x4d: {  	[sflag:s0] =	ssyncadd.tile.s32 @!p0 $0x1;
	_ =	shalt  }
.Lfunc_end1:
_tile_overlayer_lowered:
.L_overlay_start_2:
0x4e: {  	(tag) =	ssettag $0x2  }
0x4f: {  	s0 =	rddreg [dreg:$0x0];
	s2 =	stileid.u32  }
0x50: {  	s1 =	rddreg [dreg:$0x1];
	p0 =	sne.s32 s2, $0x0  }
0x51: {  	s3 =	rddreg [dreg:$0x2];
	[bflag:$0x3] =	sbarrier.arrive $0xFFFF;
	s2 =	simm.s32 @!p0 $0x1C01  }
0x52: {  	[timem:s3], [sflag:s2] =	dma.local @!p0 [hbm:s0], s1  }
0x53: {  	s0 =	simm.s32 @!p0 $0x1  }
0x54: {  	_ =	swait.ge @!p0 [sflag:s0], s1  }
0x55: {  	s1 =	ssub.s32 @!p0 $0x0, s1;
	[sflag:s0] =	ssyncset.done @!p0 $0x0  }
0x56: {  	[sflag:s0] =	ssyncadd.s32 @!p0 s1  }
0x57: {  	[bflag:$0x3] =	sbarrier.arrive $0xFFFF  }
0x58: {  	_ =	shalt  }

// kernel: sparse-core-data-format-call.3.cloned.1.call-start
scs
called_computation.3_lowered:
.L_overlay_start_0:
0x0: {  	s2 =	sld [smem:$0x3FD9]  }
0x1: {  	s3 =	sld [smem:$0x3FFE];
	_ =	sdelay $0x1  }
0x2: {  	s1 =	srdreg.scid  }
0x3: {  	s0 =	sand.u32 $0x1, s1  }
0x4: {  	s18 =	sshll.u32 s0, $0xA;
	s2 =	sadd.s32 s3, s2  }
0x5: {  	s2 =	sadd.s32 s2, s18  }
0x6: {  	[smem:$0x3FA9] =	sst s2  }
0x7: {  	_ = 	snop  }
0x8: {  	(tm) =	ssettm $0x1  }
0x9: {  	s19 =	sld [smem:$0x3FFB];
	_ =	sdelay $0x3  }
0xa: {  	_ =	strace s19  }
0xb: {  	s2 =	sld [smem:$0x3FFC];
	_ =	sdelay $0x3  }
0xc: {  	_ =	strace s2  }
0xd: {  	s2 =	sld [smem:$0x3FFD];
	_ =	sdelay $0x3  }
0xe: {  	_ =	strace s2  }
0xf: {  	_ =	strace $0x8FFFFFFF  }
0x10: {  	s20 =	sld [smem:$0x3FDB];
	_ =	sdelay $0x1  }
0x11: {  	s21 =	simm.s32 $_scs_section_size  }
0x12: {  	s4 =	simm.s32 $_size__tile_overlayer_lowered;
	s5 =	simm.s32 $_tile_overlayer_lowered  }
0x13: {  	s6 =	simm.s32 $0x1BFF;
	s22 =	sshll.u32 s5, $0x1;
	s3 =	sadd.s32 s21, s20  }
0x14: {  	s23 =	simm.s32 $0x0;
	s4 =	sshll.u32 s4, $0x1;
	s5 =	sadd.s32 s22, s3  }
0x15: {  	[timem:s23], [sflag:s6] =	dma.local [hbm:s5], s4  }
0x16: {  	_ =	swait.ge [sflag:s6], s4  }
0x17: {  	s4 =	ssub.s32 $0x0, s4;
	[sflag:s6] =	ssyncset.done $0x0  }
0x18: {  	[sflag:s6] =	ssyncadd.s32 s4;
	_ =	sdelay $0x1  }
0x19: {  	s24 =	simm.s32 $0x1B8B  }
0x1a: {  	_ =	swait.ge [sflag:s24], $0x1  }
0x1b: {  	[sflag:s24] =	ssyncset.done $0x0  }
0x1c: {  	[sflag:s24] =	ssyncadd.s32 $0xFFFFFFFF  }
0x1d: {  	s4 =	sld [smem:$0x0]  }
0x1e: {  	s5 =	sand.u32 $0xFFFFFFFE, s1  }
0x1f: {  	p0 =	sne.s32 s1, s5  }
0x20: {  	s5 =	sshll.u32 @p0 s5, $0xE  }
0x21: {  	s5 =	sadd.s32 @p0 $0x11B8D, s5;
	s6 =	sshll.u32 @p0 s4, $0x11  }
0x22: {  	s5 =	sor.u32 @p0 s6, s5  }
0x23: {  	[sflag:s5] =	ssyncadd.remote.s32 @p0 $0x1;
	_ =	sdelay $0x1  }
0x24: {  	s5 =	simm.s32 @p0 $0x1B8D  }
0x25: {  	_ =	swait.eq @p0 [sflag:s5], $0x1  }
0x26: {  	[sflag:s5] =	ssyncadd.s32 @p0 $0xFFFFFFFF  }
0x27: {  	s6 =	sshll.u32 @!p0 s1, $0xE  }
0x28: {  	s6 =	sor.u32 @!p0 $0x4000, s6;
	s5 =	simm.s32 @!p0 $0x1B8D  }
0x29: {  	s4 =	sshll.u32 @!p0 s4, $0x11;
	s6 =	sadd.s32 @!p0 $0x11B8D, s6;
	_ =	swait.eq @!p0 [sflag:s5], $0x1  }
0x2a: {  	s4 =	sor.u32 @!p0 s4, s6;
	[sflag:s5] =	ssyncadd.s32 @!p0 $0xFFFFFFFF  }
0x2b: {  	s26 =	simm.s32 $0x1B8E;
	s25 =	sld [smem:$0x3FFE];
	[sflag:s4] =	ssyncadd.remote.s32 @!p0 $0x1  }
0x2c: {  	s27 =	simm.s32 $execute0_lowered;
	[smem:$0x3FD2] =	sst s26  }
0x2d: {  	s5 =	sshll.u32 s27, $0x1;
	_ =	strace $0x8000004F;
	[dreg:$0x1] =	wrdreg $0xFFFFFFFF  }
0x2e: {  	s28 =	simm.s32 $_size_execute0_lowered;
	s3 =	sadd.s32 s3, s5;
	[dreg:$0x0] =	wrdreg $0x0  }
0x2f: {  	s5 =	sshll.u32 s28, $0x1;
	[dreg:$0x2] =	wrdreg s3  }
0x30: {  	[dreg:$0x3] =	wrdreg s5  }
0x31: {  	[dreg:$0x4] =	wrdreg $0xC0  }
0x32: {  	_ =	task [dreg:s23], $0x5FFFF  }
0x33: {  	[dreg:$0x1] =	wrdreg $0xFFFFFFFF  }
0x34: {  	[dreg:$0x0] =	wrdreg $0x60  }
0x35: {  	[dreg:$0x2] =	wrdreg s25  }
0x36: {  	[dreg:$0x3] =	wrdreg $0xA  }
0x37: {  	_ =	task.clear_ibuf [dreg:s23], $0x4FFFF;
	_ =	strace $0x9000004F  }
0x38: {  	s29 =	simm.s32 $0xA;
	_ =	strace $0x80000051  }
0x39: {  	_ =	swait.ge [sflag:s29], $0x1  }
0x3a: {  	[sflag:s29] =	ssyncadd.s32 $0xFFFFFFFF  }
0x3b: {  	_ =	strace $0x90000051  }
0x3c: {  	_ =	sfence  }
0x3d: {  	s30 =	sld [smem:$0x0];
	_ =	sdelay $0x2  }
0x3e: {  	s31 =	sshll.u32 s1, $0xD;
	s1 =	sshrl.u32 s1, $0x2  }
0x3f: {  	s4 =	sand.u32 $0x4000, s31;
	s1 =	sadd.s32 s1, s30  }
0x40: {  	s0 =	sor.u32 s4, s0;
	s1 =	sshll.u32 s1, $0x11  }
0x41: {  	s0 =	sor.u32 s1, s0  }
0x42: {  	s0 =	sadd.s32 $0x8F2B, s0  }
0x43: {  	[sflag:s0] =	ssyncadd.remote.s32 $0x1  }
0x44: {  	_ =	sfence.sel $0xFFFF  }
0x45: {  	[dreg:$0x0] =	wrdreg $0xFFFFFFFF;
	(pc) =	sbr.abs _section_cstart, $3  }
0x46: {  	[dreg:$0x1] =	wrdreg $0xFFFFFFFF  }
0x47: {  	_ =	task.clear_ibuf [dreg:s23], $0x2FFFF;
	_ =	strace $0x9FFFFFFF  }
0x48: {  	(tm) =	ssettm $0x7FFFFFFF  }
0x49: {  	_ =	shalt  }
tec
execute0_lowered:
.L_overlay_start_1:
0x0: {  	(tag) =	ssettag $0x1  }
0x1: {  	s0 =	srdreg.scid;
	s3 =	rddreg [dreg:$0x0];
	s5 =	simm.s32 $0x1  }
0x2: {  	s7 =	simm.s32 $0x2;
	s15 =	simm.s32 $0x0;
	p0 =	por $0x0, $0x0  }
0x3: {  	s8 =	simm.s32 $0x2000;
	s13 =	simm.s32 $0x0;
	s1 =	sshll.u32 s0, $0x7  }
0x4: {  	s14 =	simm.s32 $0x0;
	s9 =	simm.s32 $0x0;
	s1 =	sand.u32 $0x80, s1  }
0x5: {  	s0 =	rddreg [dreg:$0x1];
	_ =	strace $0x80000050;
	s6 =	ssub.s32 $0x400, s1  }
.Ltmp0:
0x6: {  	s2 =	sadd.s32 $0x461000, s3;
	s31 =	sshrl.u32 s6, $0x7;
	(pc) =	sbr.rel .LBB1_1-.Ltmp0, $4  }
0x7: {  	s4 =	sadd.s32 $0xC61000, s3;
	s6 =	sshrl.u32 s6, $0x8;
	s3 =	sand.u32 $0x1, s31  }
0x8: {  	s11 =	stileid.u32;
	[sflag:s5] =	ssyncpa.u1 $0x0;
	s6 =	sadd.s32 s6, s3  }
0x9: {  	s12 =	simm.s32 $0x0;
	[sflag:s7] =	ssyncpa.u1 $0x0;
	s6 =	sshll.u32 s6, $0x5  }
0xa: {  	s10 =	smov.u32 s1;
	s3 =	stileid.u32;
	s7 =	sor.u32 $0x1, s6  }
.LBB1_4:
0xb: {  	v5 =	vld [tilespmem:s19+$0xFFFFFFD0];
	[tilespmem:s18+$0x2040 ss:$0x81] =	vst.msk $0xffff, v1  }
0xc: {  	v58 =	vld [tilespmem:s19+$0xFFFFFFE0];
	[tilespmem:s18+$0x2850 ss:$0x81] =	vst.msk $0xffff, v2  }
0xd: {  	s20 =	sshra.s32 s20, $0x2;
	v59 =	vld [tilespmem:s19+$0xFFFFFFF0];
	[tilespmem:s18+$0x3060 ss:$0x81] =	vst.msk $0xffff, v3  }
0xe: {  	v60 =	vld [tilespmem:s19+$0x0];
	[tilespmem:s18+$0x0 ss:$0x81] =	vst.msk $0xffff, v0;
	s17 =	sadd.s32 s20, s17  }
0xf: {  	v61 =	vld [tilespmem:s19+$0x10];
	[tilespmem:s17+$0x3870 ss:$0x81] =	vst.msk $0xffff, v4  }
0x10: {  	v62 =	vld [tilespmem:s19+$0x20];
	s26 =	sshll.u32 s15, $0xA;
	s27 =	sshll.u32 s13, $0x3;
	[tilespmem:s17+$0x810 ss:$0x81] =	vst.msk $0xffff, v5  }
0x11: {  	v63 =	vld [tilespmem:s19+$0xFFFFFFC0];
	s29 =	sshll.u32 s15, $0x7;
	s30 =	sand.u32 $0x78, s13;
	s14 =	sshll.u32 s14, $0x13;
	[tilespmem:s17+$0x1020 ss:$0x81] =	vst.msk $0xffff, v58  }
0x12: {  	s18 =	sand.u32 $0x3FE000, s26;
	s28 =	sand.u32 $0x3FFC00, s27;
	s15 =	sand.u32 $0x380, s29;
	[tilespmem:s17+$0x1830 ss:$0x81] =	vst.msk $0xffff, v59  }
0x13: {  	s31 =	sand.u32 $0x7, s13;
	s18 =	sadd.s32 s28, s18;
	s15 =	sor.u32 s30, s15;
	[tilespmem:s17+$0x2040 ss:$0x81] =	vst.msk $0xffff, v60  }
0x14: {  	s14 =	sadd.s32 s4, s14;
	s18 =	sshrl.u32 s18, $0x3;
	s15 =	sshrl.u32 s15, $0x3;
	[tilespmem:s17+$0x2850 ss:$0x81] =	vst.msk $0xffff, v61  }
0x15: {  	s13 =	sshll.u32 s31, $0x12;
	s18 =	sand.u32 $0x7FF80, s18;
	s14 =	sadd.s32 s15, s14;
	[tilespmem:s17+$0x3060 ss:$0x81] =	vst.msk $0xffff, v62  }
0x16: {  	s13 =	sor.u32 $0x400, s13;
	[tilespmem:s17+$0x0 ss:$0x81] =	vst.msk $0xffff, v63;
	s14 =	sadd.s32 s18, s14  }
0x17: {  	[hbm4b:s14+s13] =	stream.strided.scatter [tilespmem:s16], [sflag:$0x2], $0x4000, s8, s13, $0x20;
	[tilespmem:$0x10100] =	vst v63  }
.LBB1_5:
0x18: {  	s16 =	sadd.s32 $0x80, s9  }
0x19: {  	s13 =	sadd.s32 $0x100, s10;
	s17 =	smov.u32 s10;
	p2 =	sgt.s32 s16, $0xFFF  }
0x1a: {  	s17 =	smov.u32 @p2 s13  }
0x1b: {  	s19 =	smov.u32 s11;
	s13 =	sadd.s32 $0x10, s11;
	p3 =	sgt.s32 s17, $0x3FF  }
0x1c: {  	s19 =	smov.u32 @p3 s13  }
0x1d: {  	s16 =	simm.s32 @p2 $0x0;
	p2 =	sgt.s32 s19, $0xF  }
0x1e: {  	p1 =	slt.u32 s12, $0x2;
	s19 =	smov.u32 @p2 s3;
	p2 =	sne.s32 s12, s7  }
.Ltmp1:
0x1f: {  	s18 =	simm.s32 @!p1 $0x2;
	(pc) =	sbr.rel @!p2 .LBB1_6-.Ltmp1, $4  }
0x20: {  	s15 =	smov.u32 s9;
	s14 =	smov.u32 s11;
	_ =	swait.ge @!p1 [sflag:s18], $0x4000  }
0x21: {  	p0 =	por !p0, !p0;
	[sflag:s18] =	ssyncset.done @!p1 $0x0;
	s9 =	smov.u32 s16  }
0x22: {  	s17 =	smov.u32 @p3 s1;
	s13 =	smov.u32 s10;
	[sflag:s18] =	ssyncadd.s32 @!p1 $0xFFFFC000  }
0x23: {  	s10 =	smov.u32 s17;
	s12 =	sadd.s32 $0x1, s12;
	s11 =	smov.u32 s19  }
.LBB1_1:
0x24: {  	p1 =	sge.u32 s12, s6;
	s31 =	sadd.s32 $0xFFFFFFFF, s12  }
0x25: {  	s16 =	sxor.u32 @!p1 $0xFFFFFFFF, s12;
	s17 =	sand.u32 @!p1 $0x78, s9;
	s18 =	sshll.u32 @!p1 s10, $0xC  }
0x26: {  	s19 =	sshll.u32 @!p1 s10, $0x7;
	s20 =	sshll.u32 @!p1 s9, $0x3;
	s16 =	sshll.u32 @!p1 s16, $0xE  }
0x27: {  	s18 =	sand.u32 @!p1 $0x3F8000, s18;
	s19 =	sand.u32 @!p1 $0x380, s19;
	s16 =	sand.u32 @!p1 $0x4000, s16  }
0x28: {  	s18 =	sadd.s32 @!p1 s18, s20;
	s20 =	sand.u32 @!p1 $0xC00, s20;
	s17 =	sor.u32 @!p1 s19, s17  }
0x29: {  	s19 =	sshll.u32 @!p1 s11, $0x13;
	s17 =	sor.u32 @!p1 s20, s17;
	s18 =	sshrl.u32 @!p1 s18, $0x3  }
0x2a: {  	s19 =	sadd.s32 @!p1 s2, s19;
	s20 =	sand.u32 @!p1 $0x7, s9;
	s18 =	sand.u32 @!p1 $0x7FE00, s18  }
0x2b: {  	s17 =	sshrl.u32 @!p1 s17, $0x3;
	s18 =	sadd.s32 @!p1 s18, s19;
	s19 =	sshll.u32 @!p1 s20, $0x12  }
0x2c: {  	s17 =	sadd.s32 @!p1 s17, s18;
	s18 =	sor.u32 @!p1 $0x400, s19;
	s19 =	simm.s32 @!p1 $0x8000  }
0x2d: {  	[tilespmem:s16], [sflag:$0x1] =	stream.strided.gather @!p1 [hbm4b:s17+s18], $0x4000, s19, s18, $0x38;
	[tilespmem:$0x10100] =	vst v63  }
0x2e: {  	p1 =	sge.u32 s31, s6  }
.Ltmp2:
0x2f: {  	_ = 	snop;
	(pc) =	sbr.rel @p1 .LBB1_5-.Ltmp2, $1  }
0x30: {  	_ =	sdelay $0x3  }
0x31: {  	s16 =	simm.s32 $0x1  }
0x32: {  	_ =	swait.ge [sflag:s5], $0x4000;
	s16 =	simm.s32 @!p0 $0x0  }
0x33: {  	[sflag:s5] =	ssyncset.done $0x0;
	s17 =	sshll.u32 s16, $0xE  }
0x34: {  	[sflag:s5] =	ssyncadd.s32 $0xFFFFC000;
	s19 =	sor.u32 $0x40, s17  }
0x35: {  	s16 =	smul.u32 $0x10200, s16;
	v0 =	vld [tilespmem:s19+$0x30]  }
0x36: {  	v3 =	vld [tilespmem:s19+$0xFFFFFFD0]  }
0x37: {  	s16 =	sshrl.u32 s16, $0x2;
	v4 =	vld [tilespmem:s19+$0xFFFFFFE0]  }
0x38: {  	v5 =	vld [tilespmem:s19+$0xFFFFFFF0];
	s17 =	sor.u32 $0x8000, s16  }
0x39: {  	s31 =	sand.u32 $0x1, s12;
	v1 =	vld [tilespmem:s19+$0x0];
	s18 =	sadd.s32 $0x0, s17  }
0x3a: {  	v2 =	vld [tilespmem:s19+$0x10];
	s16 =	smul.u32 $0x10200, s31;
	[tilespmem:s18+$0x3870 ss:$0x81] =	vst.msk $0xffff, v0  }
0x3b: {  	[tilespmem:s18+$0x810 ss:$0x81] =	vst.msk $0xffff, v3;
	v3 =	vld [tilespmem:s19+$0x20]  }
0x3c: {  	s16 =	sshrl.u32 s16, $0x2;
	v0 =	vld [tilespmem:s19+$0xFFFFFFC0];
	[tilespmem:s18+$0x1020 ss:$0x81] =	vst.msk $0xffff, v4;
	s19 =	sadd.s32 $0x80, s19  }
0x3d: {  	s20 =	simm.s32 $0x4;
	s21 =	simm.s32 $0x8;
	s16 =	sor.u32 $0x8000, s16;
	[tilespmem:s18+$0x1830 ss:$0x81] =	vst.msk $0xffff, v5;
	v4 =	vld [tilespmem:s19+$0x30]  }
.LBB1_3:
0x3e: {  	p1 =	sne.s32 s21, $0x1FC;
	v5 =	vld [tilespmem:s19+$0xFFFFFFD0];
	[tilespmem:s18+$0x2040 ss:$0x81] =	vst.msk $0xffff, v1  }
0x3f: {  	v6 =	vld [tilespmem:s19+$0xFFFFFFE0];
	[tilespmem:s18+$0x2850 ss:$0x81] =	vst.msk $0xffff, v2  }
0x40: {  	s22 =	sshra.s32 s20, $0x2;
	s20 =	smov.u32 s21;
	v7 =	vld [tilespmem:s19+$0xFFFFFFF0];
	[tilespmem:s18+$0x3060 ss:$0x81] =	vst.msk $0xffff, v3  }
.Ltmp3:
0x41: {  	v1 =	vld [tilespmem:s19+$0x0];
	[tilespmem:s18+$0x0 ss:$0x81] =	vst.msk $0xffff, v0;
	s18 =	sadd.s32 s22, s17;
	(pc) =	sbr.rel @p1 .LBB1_3-.Ltmp3, $4  }
0x42: {  	v2 =	vld [tilespmem:s19+$0x10];
	[tilespmem:s18+$0x3870 ss:$0x81] =	vst.msk $0xffff, v4  }
0x43: {  	[tilespmem:s18+$0x810 ss:$0x81] =	vst.msk $0xffff, v5;
	v3 =	vld [tilespmem:s19+$0x20]  }
0x44: {  	v0 =	vld [tilespmem:s19+$0xFFFFFFC0];
	[tilespmem:s18+$0x1020 ss:$0x81] =	vst.msk $0xffff, v6;
	s19 =	sadd.s32 $0x80, s19  }
0x45: {  	s21 =	sadd.s32 $0x4, s21;
	v4 =	vld [tilespmem:s19+$0x30];
	[tilespmem:s18+$0x1830 ss:$0x81] =	vst.msk $0xffff, v7  }
.Ltmp4:
0x46: {  	_ = 	snop;
	(pc) =	sbr.rel .LBB1_4-.Ltmp4, $1  }
0x47: {  	_ =	sdelay $0x3  }
.LBB1_6:
0x48: {  	_ =	sfence.sel $0x180000  }
0x49: {  	s1 =	simm.s32 $0x1;
	[bflag:$0x0] =	sbarrier.arrive $0xFFFF  }
0x4a: {  	s31 =	simm.s32 $0x2;
	[sflag:s1] =	ssyncpa.u1 $0x1  }
0x4b: {  	[sflag:s31] =	ssyncpa.u1 $0x1  }
0x4c: {  	p0 =	sne.s32 s3, $0x0;
	_ =	strace $0x90000050  }
0x4d: {  	s0 =	sadd.s32 @!p0 $0x100000, s0;
	[bflag:$0x2] =	sbarrier.arrive $0xFFFF  }
0x4e: {  	[sflag:s0] =	ssyncadd.tile.s32 @!p0 $0x1;
	_ =	shalt  }
.Lfunc_end1:
_tile_overlayer_lowered:
.L_overlay_start_2:
0x4f: {  	(tag) =	ssettag $0x2  }
0x50: {  	s0 =	rddreg [dreg:$0x0];
	s2 =	stileid.u32  }
0x51: {  	s1 =	rddreg [dreg:$0x1];
	p0 =	sne.s32 s2, $0x0  }
0x52: {  	s3 =	rddreg [dreg:$0x2];
	[bflag:$0x3] =	sbarrier.arrive $0xFFFF;
	s2 =	simm.s32 @!p0 $0x1C01  }
0x53: {  	[timem:s3], [sflag:s2] =	dma.local @!p0 [hbm:s0], s1  }
0x54: {  	s0 =	simm.s32 @!p0 $0x1  }
0x55: {  	_ =	swait.ge @!p0 [sflag:s0], s1  }
0x56: {  	s1 =	ssub.s32 @!p0 $0x0, s1;
	[sflag:s0] =	ssyncset.done @!p0 $0x0  }
0x57: {  	[sflag:s0] =	ssyncadd.s32 @!p0 s1  }
0x58: {  	[bflag:$0x3] =	sbarrier.arrive $0xFFFF  }
0x59: {  	_ =	shalt  }

// kernel: sparse-core-data-format-call.cloned.1.call-start
scs
called_computation_lowered:
.L_overlay_start_0:
0x0: {  	s1 =	sld [smem:$0x3FD9]  }
0x1: {  	s2 =	sld [smem:$0x3FFE];
	_ =	sdelay $0x1  }
0x2: {  	s3 =	srdreg.scid  }
0x3: {  	s0 =	sand.u32 $0x1, s3  }
0x4: {  	s17 =	sshll.u32 s0, $0xA;
	s1 =	sadd.s32 s2, s1  }
0x5: {  	s1 =	sadd.s32 s1, s17  }
0x6: {  	[smem:$0x3FA9] =	sst s1  }
0x7: {  	_ = 	snop  }
0x8: {  	(tm) =	ssettm $0x1  }
0x9: {  	s18 =	sld [smem:$0x3FFB];
	_ =	sdelay $0x3  }
0xa: {  	_ =	strace s18  }
0xb: {  	s1 =	sld [smem:$0x3FFC];
	_ =	sdelay $0x3  }
0xc: {  	_ =	strace s1  }
0xd: {  	s1 =	sld [smem:$0x3FFD];
	_ =	sdelay $0x3  }
0xe: {  	_ =	strace s1  }
0xf: {  	_ =	strace $0x8FFFFFFF  }
0x10: {  	s19 =	sld [smem:$0x3FDB];
	_ =	sdelay $0x1  }
0x11: {  	s20 =	simm.s32 $_scs_section_size  }
0x12: {  	s4 =	simm.s32 $_size__tile_overlayer_lowered;
	s5 =	simm.s32 $_tile_overlayer_lowered  }
0x13: {  	s23 =	simm.s32 $0x1BFF;
	s22 =	sshll.u32 s5, $0x1;
	s1 =	sadd.s32 s20, s19  }
0x14: {  	s6 =	simm.s32 $0x0;
	s21 =	sshll.u32 s4, $0x1;
	s4 =	sadd.s32 s22, s1  }
0x15: {  	[timem:s6], [sflag:s23] =	dma.local [hbm:s4], s21  }
0x16: {  	_ =	swait.ge [sflag:s23], s21  }
0x17: {  	s2 =	ssub.s32 $0x0, s21;
	[sflag:s23] =	ssyncset.done $0x0  }
0x18: {  	[sflag:s23] =	ssyncadd.s32 s2;
	_ =	sdelay $0x1  }
0x19: {  	s24 =	simm.s32 $0x1B8B  }
0x1a: {  	_ =	swait.ge [sflag:s24], $0x1  }
0x1b: {  	[sflag:s24] =	ssyncset.done $0x0  }
0x1c: {  	s26 =	simm.s32 $0x1B8E;
	s25 =	sld [smem:$0x3FFE];
	[sflag:s24] =	ssyncadd.s32 $0xFFFFFFFF  }
0x1d: {  	s27 =	simm.s32 $execute0_lowered;
	[smem:$0x3FD2] =	sst s26  }
0x1e: {  	s4 =	sshll.u32 s27, $0x1;
	_ =	strace $0x80000058;
	[dreg:$0x1] =	wrdreg $0xFFFFFFFF  }
0x1f: {  	s28 =	simm.s32 $_size_execute0_lowered;
	s1 =	sadd.s32 s1, s4;
	[dreg:$0x0] =	wrdreg $0x0  }
0x20: {  	s4 =	sshll.u32 s28, $0x1;
	[dreg:$0x2] =	wrdreg s1  }
0x21: {  	[dreg:$0x3] =	wrdreg s4  }
0x22: {  	[dreg:$0x4] =	wrdreg $0xC0  }
0x23: {  	_ =	task [dreg:s6], $0x5FFFF  }
0x24: {  	[dreg:$0x1] =	wrdreg $0xFFFFFFFF  }
0x25: {  	[dreg:$0x0] =	wrdreg $0x60  }
0x26: {  	[dreg:$0x2] =	wrdreg s25  }
0x27: {  	[dreg:$0x3] =	wrdreg $0x9  }
0x28: {  	_ =	task.clear_ibuf [dreg:s6], $0x4FFFF;
	_ =	strace $0x90000058  }
0x29: {  	s29 =	simm.s32 $0x9;
	_ =	strace $0x8000005A  }
0x2a: {  	_ =	swait.ge [sflag:s29], $0x1  }
0x2b: {  	[sflag:s29] =	ssyncadd.s32 $0xFFFFFFFF  }
0x2c: {  	_ =	strace $0x9000005A  }
0x2d: {  	_ =	sfence  }
0x2e: {  	s30 =	sld [smem:$0x0];
	_ =	sdelay $0x2  }
0x2f: {  	s31 =	sshll.u32 s3, $0xD;
	s3 =	sshrl.u32 s3, $0x2  }
0x30: {  	s2 =	sand.u32 $0x4000, s31;
	s1 =	sadd.s32 s3, s30  }
0x31: {  	s0 =	sor.u32 s2, s0;
	s1 =	sshll.u32 s1, $0x11  }
0x32: {  	s0 =	sor.u32 s1, s0  }
0x33: {  	s0 =	sadd.s32 $0x8F2B, s0  }
0x34: {  	[sflag:s0] =	ssyncadd.remote.s32 $0x1  }
0x35: {  	_ =	sfence.sel $0xFFFF  }
0x36: {  	[dreg:$0x0] =	wrdreg $0xFFFFFFFF;
	(pc) =	sbr.abs _section_cstart, $3  }
0x37: {  	[dreg:$0x1] =	wrdreg $0xFFFFFFFF  }
0x38: {  	_ =	task.clear_ibuf [dreg:s6], $0x2FFFF;
	_ =	strace $0x9FFFFFFF  }
0x39: {  	(tm) =	ssettm $0x7FFFFFFF  }
tec
execute0_lowered:
.L_overlay_start_1:
0x0: {  	(tag) =	ssettag $0x1  }
0x1: {  	s0 =	srdreg.scid;
	s7 =	rddreg [dreg:$0x0];
	s5 =	simm.s32 $0x1  }
0x2: {  	s8 =	simm.s32 $0x2;
	s18 =	simm.s32 $0x0;
	p0 =	por $0x0, $0x0  }
0x3: {  	s9 =	simm.s32 $0x400;
	s16 =	simm.s32 $0x0;
	s15 =	simm.s32 $0x0  }
0x4: {  	s17 =	simm.s32 $0x0;
	s10 =	simm.s32 $0x0;
	s1 =	sshll.u32 s0, $0x7  }
0x5: {  	s11 =	simm.s32 $0x0;
	s13 =	stileid.u32;
	s1 =	sand.u32 $0x80, s1  }
0x6: {  	s14 =	simm.s32 $0x0;
	s0 =	rddreg [dreg:$0x1];
	s3 =	ssub.s32 $0x100, s1  }
.Ltmp0:
0x7: {  	_ =	strace $0x80000059;
	s6 =	sshrl.u32 s3, $0x7;
	(pc) =	sbr.rel .LBB1_1-.Ltmp0, $4  }
0x8: {  	s2 =	sadd.s32 $0x261000, s7;
	s3 =	sshrl.u32 s3, $0x8;
	s6 =	sand.u32 $0x1, s6  }
0x9: {  	s4 =	sadd.s32 $0x661000, s7;
	[sflag:s5] =	ssyncpa.u1 $0x0;
	s6 =	sadd.s32 s3, s6  }
0xa: {  	s7 =	sadd.s32 $0x662000, s7;
	[sflag:s8] =	ssyncpa.u1 $0x0;
	s6 =	sshll.u32 s6, $0x6  }
0xb: {  	s12 =	smov.u32 s1;
	s3 =	stileid.u32;
	s8 =	sor.u32 $0x1, s6  }
.LBB1_4:
0xc: {  	v11 =	vld [tilespmem:s23+$0xFFFFFFE0];
	v12 =	vcombine.low v6, v7  }
0xd: {  	v3 =	vperm.xlane.i2c.b16 v3;
	[tilespmem:s24+$0x3870 ss:$0x81] =	vst.msk $0xffff, v9;
	v45 =	vld [tilespmem:s23+$0xFFFFFFF0];
	v4 =	vperm.xlane.i2c.b16 v4  }
0xe: {  	v46 =	vcombine.high v6, v7;
	[tilespmem:s22+$0x2040 ss:$0x81] =	vst.msk $0xffff, v10;
	v47 =	vld [tilespmem:s23+$0x0];
	v5 =	vperm.xlane.i2c.b16 v5  }
0xf: {  	v49 =	vld [tilespmem:s23+$0x10];
	v1 =	vperm.xlane.i2c.b16 v1;
	[tilespmem:s24+$0x810 ss:$0x81] =	vst.msk $0xffff, v12;
	v48 =	vcombine.low v8, v3  }
0x10: {  	v51 =	vld [tilespmem:s23+$0xFFFFFFC0];
	v58 =	vperm.xlane.i2c.b16 v2;
	v50 =	vcombine.low v4, v0;
	[tilespmem:s24+$0x2850 ss:$0x81] =	vst.msk $0xffff, v46  }
0x11: {  	s31 =	sshra.s32 s25, $0x2;
	v3 =	vcombine.high v8, v3;
	v52 =	vcombine.low v1, v5;
	[tilespmem:s24+$0x1020 ss:$0x81] =	vst.msk $0xffff, v48  }
0x12: {  	s21 =	sadd.s32 s31, s21;
	v1 =	vcombine.high v1, v5;
	v55 =	vcombine.high v4, v0;
	[tilespmem:s24+$0x0 ss:$0x81] =	vst.msk $0xffff, v50  }
0x13: {  	[tilespmem:s21+$0x1830 ss:$0x81] =	vst.msk $0xffff, v52;
	v11 =	vperm.xlane.i2c.b16 v11;
	v53 =	vperm.xlane.i2c.b16 v45  }
0x14: {  	[tilespmem:s24+$0x3060 ss:$0x81] =	vst.msk $0xffff, v3;
	v54 =	vperm.xlane.i2c.b16 v47;
	v57 =	vperm.xlane.i2c.b16 v49  }
0x15: {  	s23 =	sshll.u32 s18, $0x8;
	s25 =	sshll.u32 s15, $0x3;
	s26 =	sshll.u32 s18, $0x7;
	[tilespmem:s21+$0x3870 ss:$0x81] =	vst.msk $0xffff, v1;
	v60 =	vperm.xlane.i2c.b16 v51;
	v56 =	vcombine.low v11, v53  }
0x16: {  	s17 =	sshll.u32 s17, $0x12;
	s16 =	sshll.u32 s16, $0xC;
	s27 =	sshrl.u32 s15, $0x3;
	[tilespmem:s24+$0x2040 ss:$0x81] =	vst.msk $0xffff, v55;
	v61 =	vcombine.low v54, v57  }
0x17: {  	s29 =	sand.u32 $0x7, s15;
	s22 =	sand.u32 $0xF800, s23;
	s23 =	sand.u32 $0xFC00, s25;
	v63 =	vcombine.low v60, v58;
	[tilespmem:s21+$0x810 ss:$0x81] =	vst.msk $0xffff, v56  }
0x18: {  	s18 =	sand.u32 $0x300, s26;
	s28 =	sadd.s32 s17, s16;
	s22 =	sadd.s32 s23, s22;
	v59 =	vcombine.high v11, v53;
	[tilespmem:s21+$0x1020 ss:$0x81] =	vst.msk $0xffff, v61  }
0x19: {  	s15 =	sshll.u32 s29, $0x12;
	s17 =	sadd.s32 s17, s7;
	s18 =	sor.u32 s18, s22;
	v62 =	vcombine.high v54, v57;
	[tilespmem:s21+$0x0 ss:$0x81] =	vst.msk $0xffff, v63  }
0x1a: {  	s23 =	sadd.s32 s4, s28;
	s22 =	sand.u32 $0xF, s27;
	s18 =	sshrl.u32 s18, $0x4;
	v0 =	vcombine.high v60, v58;
	[tilespmem:s21+$0x2850 ss:$0x81] =	vst.msk $0xffff, v59  }
0x1b: {  	s16 =	sadd.s32 s16, s17;
	s23 =	sadd.s32 s22, s23;
	s18 =	sand.u32 $0xFF0, s18;
	[tilespmem:s21+$0x3060 ss:$0x81] =	vst.msk $0xffff, v62  }
0x1c: {  	s15 =	sor.u32 $0x200, s15;
	s16 =	sadd.s32 s22, s16;
	s30 =	sadd.s32 s18, s23;
	[tilespmem:s21+$0x2040 ss:$0x81] =	vst.msk $0xffff, v0  }
0x1d: {  	[hbm4b:s30+s15] =	stream.strided.scatter [tilespmem:s20], [sflag:$0x2], $0x2000, s9, s15, $0x20;
	[tilespmem:$0x10100] =	vst v63  }
0x1e: {  	s31 =	sadd.s32 $0xA040, s19;
	s16 =	sadd.s32 s18, s16  }
0x1f: {  	[hbm4b:s16+s15] =	stream.strided.scatter [tilespmem:s31], [sflag:$0x2], $0x2000, s9, s15, $0x20;
	[tilespmem:$0x10100] =	vst v63  }
.LBB1_5:
0x20: {  	s19 =	sadd.s32 $0x80, s10  }
0x21: {  	s15 =	sadd.s32 $0x2, s11;
	s20 =	smov.u32 s11;
	p2 =	sgt.s32 s19, $0xFF  }
0x22: {  	s20 =	smov.u32 @p2 s15  }
0x23: {  	s21 =	smov.u32 s12;
	s15 =	sadd.s32 $0x100, s12;
	p3 =	sgt.s32 s20, $0x3F  }
0x24: {  	s21 =	smov.u32 @p3 s15  }
0x25: {  	s22 =	smov.u32 s13;
	s15 =	sadd.s32 $0x10, s13;
	p4 =	sgt.s32 s21, $0xFF  }
0x26: {  	p1 =	slt.u32 s14, $0x2;
	s22 =	smov.u32 @p4 s15  }
0x27: {  	s18 =	smov.u32 s10;
	s19 =	simm.s32 @p2 $0x0;
	p2 =	sgt.s32 s22, $0xF  }
0x28: {  	s23 =	simm.s32 @!p1 $0x2;
	s22 =	smov.u32 @p2 s3;
	p2 =	sne.s32 s14, s8  }
.Ltmp1:
0x29: {  	s16 =	smov.u32 s11;
	_ =	swait.ge @!p1 [sflag:s23], $0x4000;
	(pc) =	sbr.rel @!p2 .LBB1_6-.Ltmp1, $4  }
0x2a: {  	s17 =	smov.u32 s13;
	p0 =	por !p0, !p0;
	[sflag:s23] =	ssyncset.done @!p1 $0x0  }
0x2b: {  	s10 =	smov.u32 s19;
	s20 =	simm.s32 @p3 $0x0;
	[sflag:s23] =	ssyncadd.s32 @!p1 $0xFFFFC000  }
0x2c: {  	s11 =	smov.u32 s20;
	s21 =	smov.u32 @p4 s1;
	s15 =	smov.u32 s12  }
0x2d: {  	s12 =	smov.u32 s21;
	s14 =	sadd.s32 $0x1, s14;
	s13 =	smov.u32 s22  }
.LBB1_1:
0x2e: {  	p1 =	sge.u32 s14, s6  }
0x2f: {  	s19 =	sshll.u32 @!p1 s11, $0x8;
	s20 =	sshll.u32 @!p1 s10, $0x3  }
0x30: {  	s21 =	sshll.u32 @!p1 s11, $0x7;
	s19 =	sand.u32 @!p1 $0x3800, s19;
	s20 =	sand.u32 @!p1 $0x3C00, s20  }
0x31: {  	s31 =	sadd.s32 $0xFFFFFFFF, s14;
	s19 =	sadd.s32 @!p1 s19, s20;
	s20 =	sand.u32 @!p1 $0x300, s21  }
0x32: {  	s23 =	sshrl.u32 @!p1 s10, $0x3;
	s19 =	sor.u32 @!p1 s20, s19;
	s20 =	sshll.u32 @!p1 s13, $0x12  }
0x33: {  	s22 =	sshll.u32 @!p1 s12, $0xA;
	s23 =	sand.u32 @!p1 $0xF, s23;
	s20 =	sadd.s32 @!p1 s2, s20  }
0x34: {  	s21 =	sxor.u32 @!p1 $0xFFFFFFFF, s14;
	s19 =	sshrl.u32 @!p1 s19, $0x4;
	s20 =	sadd.s32 @!p1 s22, s20  }
0x35: {  	s19 =	sand.u32 @!p1 $0x3F0, s19;
	s22 =	sand.u32 @!p1 $0x7, s10;
	s20 =	sadd.s32 @!p1 s23, s20  }
0x36: {  	s19 =	sadd.s32 @!p1 s19, s20;
	s20 =	sshll.u32 @!p1 s21, $0xE;
	s21 =	sshll.u32 @!p1 s22, $0x12  }
0x37: {  	s22 =	simm.s32 @!p1 $0x2000;
	s20 =	sand.u32 @!p1 $0x4000, s20;
	s21 =	sor.u32 @!p1 $0x80, s21  }
0x38: {  	[tilespmem:s20], [sflag:$0x1] =	stream.strided.gather @!p1 [hbm4b:s19+s21], $0x4000, s22, s21, $0x38;
	[tilespmem:$0x10100] =	vst v63  }
0x39: {  	p1 =	sge.u32 s31, s6  }
.Ltmp2:
0x3a: {  	_ = 	snop;
	(pc) =	sbr.rel @p1 .LBB1_5-.Ltmp2, $1  }
0x3b: {  	_ =	sdelay $0x3  }
0x3c: {  	s19 =	simm.s32 $0x1  }
0x3d: {  	_ =	swait.ge [sflag:s5], $0x4000;
	s19 =	simm.s32 @!p0 $0x0  }
0x3e: {  	[sflag:s5] =	ssyncset.done $0x0;
	s20 =	sshll.u32 s19, $0xE  }
0x3f: {  	[sflag:s5] =	ssyncadd.s32 $0xFFFFC000;
	s20 =	sor.u32 $0x40, s20  }
0x40: {  	v0 =	vld [tilespmem:s20+$0x20]  }
0x41: {  	v1 =	vld [tilespmem:s20+$0x30]  }
0x42: {  	v2 =	vld [tilespmem:s20+$0xFFFFFFD0]  }
0x43: {  	v3 =	vld [tilespmem:s20+$0xFFFFFFE0]  }
0x44: {  	v4 =	vld [tilespmem:s20+$0xFFFFFFF0]  }
0x45: {  	v5 =	vld [tilespmem:s20+$0x0]  }
0x46: {  	v6 =	vld [tilespmem:s20+$0x10]  }
0x47: {  	v7 =	vld [tilespmem:s20+$0xFFFFFFC0]  }
0x48: {  	s19 =	smul.u32 $0x10200, s19;
	v1 =	vperm.xlane.i2c.b16 v1;
	v0 =	vperm.xlane.i2c.b16 v0  }
0x49: {  	s20 =	sadd.s32 $0x80, s20;
	v10 =	vperm.xlane.i2c.b16 v2;
	v3 =	vperm.xlane.i2c.b16 v3  }
0x4a: {  	s19 =	sshrl.u32 s19, $0x2;
	v9 =	vld [tilespmem:s20+$0x30];
	v4 =	vperm.xlane.i2c.b16 v4;
	v5 =	vperm.xlane.i2c.b16 v5  }
0x4b: {  	s21 =	sor.u32 $0x8000, s19;
	v2 =	vld [tilespmem:s20+$0x20];
	v6 =	vperm.xlane.i2c.b16 v6;
	v8 =	vcombine.low v0, v1  }
0x4c: {  	v12 =	vld [tilespmem:s20+$0xFFFFFFF0];
	s22 =	sadd.s32 $0x0, s21;
	v13 =	vperm.xlane.i2c.b16 v7;
	v11 =	vcombine.low v3, v4  }
0x4d: {  	v0 =	vcombine.high v0, v1;
	v1 =	vld [tilespmem:s20+$0xFFFFFFD0];
	v7 =	vcombine.low v5, v6;
	[tilespmem:s22+$0x1830 ss:$0x81] =	vst.msk $0xffff, v8  }
0x4e: {  	v8 =	vld [tilespmem:s20+$0xFFFFFFE0];
	[tilespmem:s22+$0x810 ss:$0x81] =	vst.msk $0xffff, v11  }
0x4f: {  	v14 =	vld [tilespmem:s20+$0x0];
	v9 =	vperm.xlane.i2c.b16 v9;
	v5 =	vcombine.high v5, v6;
	[tilespmem:s22+$0x1020 ss:$0x81] =	vst.msk $0xffff, v7  }
0x50: {  	s31 =	sand.u32 $0x1, s14;
	[tilespmem:s22+$0x3870 ss:$0x81] =	vst.msk $0xffff, v0;
	v0 =	vcombine.high v3, v4;
	v3 =	vld [tilespmem:s20+$0x10];
	v2 =	vperm.xlane.i2c.b16 v2  }
0x51: {  	s19 =	smul.u32 $0x10200, s31;
	s23 =	sadd.s32 $0x80, s20;
	v11 =	vcombine.low v13, v10;
	v7 =	vperm.xlane.i2c.b16 v12;
	v4 =	vld [tilespmem:s20+$0xFFFFFFC0];
	[tilespmem:s22+$0x3060 ss:$0x81] =	vst.msk $0xffff, v5  }
0x52: {  	v5 =	vld [tilespmem:s23+$0x30];
	[tilespmem:s22+$0x2850 ss:$0x81] =	vst.msk $0xffff, v0;
	v0 =	vperm.xlane.i2c.b16 v1;
	v15 =	vcombine.low v2, v9  }
0x53: {  	s24 =	sadd.s32 $0x1, s21;
	s19 =	sshrl.u32 s19, $0x2;
	[tilespmem:s22+$0x0 ss:$0x81] =	vst.msk $0xffff, v11;
	v1 =	vld [tilespmem:s23+$0x20];
	v9 =	vcombine.high v2, v9;
	v6 =	vperm.xlane.i2c.b16 v8  }
0x54: {  	s25 =	simm.s32 $0x8;
	s26 =	simm.s32 $0xC;
	v10 =	vcombine.high v13, v10;
	s20 =	sor.u32 $0x8000, s19;
	v2 =	vld [tilespmem:s23+$0xFFFFFFD0];
	v8 =	vperm.xlane.i2c.b16 v14;
	[tilespmem:s24+$0x1830 ss:$0x81] =	vst.msk $0xffff, v15  }
.LBB1_3:
0x55: {  	p1 =	sne.s32 s26, $0x1FC;
	v11 =	vld [tilespmem:s23+$0xFFFFFFE0];
	v12 =	vcombine.low v6, v7;
	v3 =	vperm.xlane.i2c.b16 v3;
	[tilespmem:s24+$0x3870 ss:$0x81] =	vst.msk $0xffff, v9  }
0x56: {  	v13 =	vperm.xlane.i2c.b16 v4;
	v4 =	vcombine.high v6, v7;
	v9 =	vld [tilespmem:s23+$0xFFFFFFF0];
	[tilespmem:s22+$0x2040 ss:$0x81] =	vst.msk $0xffff, v10;
	s22 =	smov.u32 s24  }
0x57: {  	v10 =	vld [tilespmem:s23+$0x0];
	[tilespmem:s22+$0x810 ss:$0x81] =	vst.msk $0xffff, v12;
	v6 =	vcombine.low v8, v3;
	v7 =	vcombine.high v8, v3  }
.Ltmp3:
0x58: {  	v8 =	vperm.xlane.i2c.b16 v5;
	v12 =	vperm.xlane.i2c.b16 v1;
	v3 =	vld [tilespmem:s23+$0x10];
	[tilespmem:s22+$0x2850 ss:$0x81] =	vst.msk $0xffff, v4;
	(pc) =	sbr.rel @p1 .LBB1_3-.Ltmp3, $4  }
0x59: {  	v14 =	vperm.xlane.i2c.b16 v2;
	v2 =	vcombine.low v13, v0;
	v4 =	vld [tilespmem:s23+$0xFFFFFFC0];
	s23 =	sadd.s32 $0x80, s23;
	[tilespmem:s22+$0x1020 ss:$0x81] =	vst.msk $0xffff, v6  }
0x5a: {  	s24 =	sshra.s32 s25, $0x2;
	s25 =	smov.u32 s26;
	v1 =	vld [tilespmem:s23+$0x20];
	v6 =	vperm.xlane.i2c.b16 v11;
	v11 =	vcombine.low v12, v8;
	[tilespmem:s22+$0x3060 ss:$0x81] =	vst.msk $0xffff, v7  }
0x5b: {  	s24 =	sadd.s32 s24, s21;
	v5 =	vld [tilespmem:s23+$0x30];
	v7 =	vperm.xlane.i2c.b16 v9;
	v9 =	vcombine.high v12, v8;
	[tilespmem:s22+$0x0 ss:$0x81] =	vst.msk $0xffff, v2  }
0x5c: {  	s26 =	sadd.s32 $0x4, s26;
	v2 =	vld [tilespmem:s23+$0xFFFFFFD0];
	v8 =	vperm.xlane.i2c.b16 v10;
	[tilespmem:s24+$0x1830 ss:$0x81] =	vst.msk $0xffff, v11;
	v10 =	vcombine.high v13, v0;
	v0 =	vmov v14  }
.Ltmp4:
0x5d: {  	_ = 	snop;
	(pc) =	sbr.rel .LBB1_4-.Ltmp4, $1  }
0x5e: {  	_ =	sdelay $0x3  }
.LBB1_6:
0x5f: {  	_ =	sfence.sel $0x180000  }
0x60: {  	s1 =	simm.s32 $0x1;
	[bflag:$0x0] =	sbarrier.arrive $0xFFFF  }
0x61: {  	s31 =	simm.s32 $0x2;
	[sflag:s1] =	ssyncpa.u1 $0x1  }
0x62: {  	[sflag:s31] =	ssyncpa.u1 $0x1  }
0x63: {  	p0 =	sne.s32 s3, $0x0;
	_ =	strace $0x90000059  }
0x64: {  	s0 =	sadd.s32 @!p0 $0x100000, s0;
	[bflag:$0x2] =	sbarrier.arrive $0xFFFF  }
0x65: {  	[sflag:s0] =	ssyncadd.tile.s32 @!p0 $0x1;
	_ =	shalt  }
.Lfunc_end1:
_tile_overlayer_lowered:
.L_overlay_start_2:
0x66: {  	(tag) =	ssettag $0x2  }
0x67: {  	s0 =	rddreg [dreg:$0x0];
	s2 =	stileid.u32  }
0x68: {  	s1 =	rddreg [dreg:$0x1];
	p0 =	sne.s32 s2, $0x0  }
0x69: {  	s3 =	rddreg [dreg:$0x2];
	[bflag:$0x3] =	sbarrier.arrive $0xFFFF;
	s2 =	simm.s32 @!p0 $0x1C01  }
0x6a: {  	[timem:s3], [sflag:s2] =	dma.local @!p0 [hbm:s0], s1  }
0x6b: {  	s0 =	simm.s32 @!p0 $0x1  }
0x6c: {  	_ =	swait.ge @!p0 [sflag:s0], s1  }
0x6d: {  	s1 =	ssub.s32 @!p0 $0x0, s1;
	[sflag:s0] =	ssyncset.done @!p0 $0x0  }
0x6e: {  	[sflag:s0] =	ssyncadd.s32 @!p0 s1  }
0x6f: {  	[bflag:$0x3] =	sbarrier.arrive $0xFFFF  }
0x70: {  	_ =	shalt  }

</sc_bundles>
